<compile_context>
chip_gen: v7x
topology: tpu7x:2x2x1
jax: 0.10.2.dev20260603
libtpu: 0.0.44.dev20260713+nightly
codegen_flags: <defaults>
</compile_context>

<pallas_src>
import functools

import jax
import jax.numpy as jnp
from jax import lax
from jax.experimental import pallas as pl
from jax.experimental.pallas import tpu as pltpu
from jax.experimental.pallas import tpu_sc as plsc

_N = 100000
_D = 128
_B = 1024
_L = 16
_T = 2000
_NT = _N // _T
_NS = _NT // 2
_G = 32



@functools.cache
def _sc_gather_builder(n_rows, d):
    info = plsc.get_sparse_core_info()
    nw = info.num_cores * info.num_subcores
    b_per_w = n_rows // nw
    mesh = plsc.VectorSubcoreMesh(core_axis_name="c", subcore_axis_name="s")

    @functools.partial(
        pl.kernel, mesh=mesh,
        out_type=jax.ShapeDtypeStruct((n_rows, d), jnp.float32),
        scratch_types=[
            pltpu.VMEM((b_per_w,), jnp.int32),
            pltpu.VMEM((b_per_w, d), jnp.float32),
            pltpu.SemaphoreType.DMA,
        ],
    )
    def sc_gather(table_hbm, idx_hbm, out_hbm, idx_v, rows_v, sem):
        wid = lax.axis_index("s") * info.num_cores + lax.axis_index("c")
        base = wid * b_per_w
        pltpu.sync_copy(idx_hbm.at[pl.ds(base, b_per_w)], idx_v)
        pltpu.async_copy(table_hbm.at[idx_v], rows_v, sem).wait()
        pltpu.sync_copy(rows_v, out_hbm.at[pl.ds(base, b_per_w)])

    return sc_gather


def _gather_rows(x, idx):
    return _sc_gather_builder(idx.shape[0], x.shape[1])(x, idx)



def _contrib(emb, gid0, lo, hi):
    gid = gid0 + lax.broadcasted_iota(jnp.int32, (_G, _T), 1)
    onehot = (gid >= lo) & (gid < hi)
    oh = onehot.astype(jnp.bfloat16)
    hi16 = emb.astype(jnp.bfloat16)
    r1 = emb - hi16.astype(jnp.float32)
    mid = r1.astype(jnp.bfloat16)
    lo16 = (r1 - mid.astype(jnp.float32)).astype(jnp.bfloat16)
    dims = (((1,), (0,)), ((), ()))
    return (
        lax.dot_general(oh, hi16, dims, preferred_element_type=jnp.float32)
        + lax.dot_general(oh, mid, dims, preferred_element_type=jnp.float32)
        + lax.dot_general(oh, lo16, dims, preferred_element_type=jnp.float32)
    )


def _pool_body(bases_ref, xa_ref, xb_ref, loa_ref, hia_ref, lob_ref, hib_ref,
               wcore_ref, bcore_ref, pool_ref):
    t = pl.program_id(0)

    @pl.when(t == 0)
    def _init():
        pool_ref[...] = jnp.zeros_like(pool_ref)

    w = wcore_ref[...]
    b = bcore_ref[...]
    emb_a = jnp.tanh(jnp.dot(xa_ref[...], w,
                             preferred_element_type=jnp.float32) + b)
    emb_b = jnp.tanh(jnp.dot(xb_ref[...], w,
                             preferred_element_type=jnp.float32) + b)
    ca = _contrib(emb_a, t * _T, loa_ref[0], hia_ref[0])
    cb = _contrib(emb_b, (t + _NS) * _T, lob_ref[0], hib_ref[0])
    base_a = pl.multiple_of(bases_ref[t], 8)
    pool_ref[pl.ds(base_a, _G), :] += ca
    base_b = pl.multiple_of(bases_ref[t + _NS], 8)
    pool_ref[pl.ds(base_b, _G), :] += cb


def _pooled_emb(x, lo_win, hi_win, bases, w_core, b_core2d):
    grid_spec = pltpu.PrefetchScalarGridSpec(
        num_scalar_prefetch=1,
        grid=(_NS,),
        in_specs=[
            pl.BlockSpec((_T, _D), lambda t, bases: (t, 0)),
            pl.BlockSpec((_T, _D), lambda t, bases: (t + _NS, 0)),
            pl.BlockSpec((1, _G, 1), lambda t, bases: (t, 0, 0)),
            pl.BlockSpec((1, _G, 1), lambda t, bases: (t, 0, 0)),
            pl.BlockSpec((1, _G, 1), lambda t, bases: (t + _NS, 0, 0)),
            pl.BlockSpec((1, _G, 1), lambda t, bases: (t + _NS, 0, 0)),
            pl.BlockSpec((_D, _D), lambda t, bases: (0, 0)),
            pl.BlockSpec((1, _D), lambda t, bases: (0, 0)),
        ],
        out_specs=pl.BlockSpec((_B, _D), lambda t, bases: (0, 0)),
    )
    return pl.pallas_call(
        _pool_body,
        grid_spec=grid_spec,
        out_shape=jax.ShapeDtypeStruct((_B, _D), jnp.float32),
    )(bases, x, x, lo_win, hi_win, lo_win, hi_win, w_core, b_core2d)



def _head_body(pool_ref, gath_ref, wcore_ref, bcore_ref, wgraph_ref,
               wedge_ref, wlabel_ref, gumbel_ref, logits_ref, labels_ref):
    dot = functools.partial(jnp.dot, preferred_element_type=jnp.float32)
    graph_emb = jnp.tanh(dot(pool_ref[...], wgraph_ref[...]))
    cur = jnp.tanh(dot(gath_ref[0:_B, :], wcore_ref[...]) + bcore_ref[...])
    partner = jnp.tanh(dot(gath_ref[_B:2 * _B, :], wcore_ref[...]) + bcore_ref[...])
    edge_post = jnp.tanh(dot(cur, wedge_ref[0:_D, :])
                         + dot(partner, wedge_ref[_D:2 * _D, :]))
    logits = (dot(edge_post, wlabel_ref[0:_D, :])
              + dot(graph_emb, wlabel_ref[_D:2 * _D, :]))
    logits_ref[...] = logits
    m = jnp.max(logits, axis=1, keepdims=True)
    e = jnp.exp(logits - m)
    probs = e / jnp.sum(e, axis=1, keepdims=True)
    vals = jnp.log(probs + 1e-20) + gumbel_ref[...]
    vmax = jnp.max(vals, axis=1, keepdims=True)
    io = lax.broadcasted_iota(jnp.int32, (_B, _L), 1)
    labels_ref[...] = jnp.min(jnp.where(vals == vmax, io, _L), axis=1,
                              keepdims=True)


def _head(pool, gathered, w_core, b_core2d, w_graph, w_edge, w_label, gumbel):
    return pl.pallas_call(
        _head_body,
        out_shape=(
            jax.ShapeDtypeStruct((_B, _L), jnp.float32),
            jax.ShapeDtypeStruct((_B, 1), jnp.int32),
        ),
    )(pool, gathered, w_core, b_core2d, w_graph, w_edge, w_label, gumbel)



def kernel(x, node_offsets, targets, W_core, b_core, W_graph, W_edge, W_label):
    offs_e = node_offsets.at[-1].set(_N)
    tile_starts = jnp.arange(_NT, dtype=jnp.int32) * _T
    tile_seg = jnp.searchsorted(offs_e, tile_starts,
                                side="right").astype(jnp.int32) - 1
    bases = jnp.clip((tile_seg // 8) * 8, 0, _B - _G).astype(jnp.int32)
    widx = bases[:, None] + jnp.arange(_G, dtype=jnp.int32)[None, :]
    lo_win = offs_e[widx].reshape(_NT, _G, 1)
    hi_win = offs_e[widx + 1].reshape(_NT, _G, 1)
    b_core2d = b_core.reshape(1, _D)

    u = jax.random.uniform(jax.random.key(42), (_B, _L))
    gumbel = -jnp.log(-jnp.log(u + 1e-20) + 1e-20)

    cat_idx = jnp.concatenate([node_offsets[1:] - 1, targets]).astype(jnp.int32)
    gathered = _gather_rows(x, cat_idx)

    pool = _pooled_emb(x, lo_win, hi_win, bases, W_core, b_core2d)

    logits, labels = _head(pool, gathered, W_core, b_core2d, W_graph,
                           W_edge, W_label, gumbel)
    return labels.reshape(_B), logits

# --- scband reference (transcript-rebuilt; emitter-appended) ---
"""Pipeline reference for scband-graph-sampling-model-87608742904286 (READ-ONLY COPY).

The authoritative reference and input builder live on the scoring server;
editing this copy changes nothing except your own understanding.
"""

import jax, jax.numpy as jnp
import numpy as np

N = 100000   # total nodes across batch of graphs
D = 128      # node embedding dim
B = 1024     # number of graphs in batch
DG = 128     # graph embedding dim
DE = 128     # edge post-embedding dim
L = 16       # number of edge labels


def setup_inputs(seed: int = 0) -> dict:
    key = jax.random.key(seed)
    k = jax.random.split(key, 8)
    x = jax.random.normal(k[0], (N, D), dtype=jnp.float32)
    per = N // B
    # strictly increasing offsets: B graphs of equal size, covering all N nodes
    node_offsets = (jnp.arange(B + 1, dtype=jnp.int32) * per).astype(jnp.int32)
    targets = jax.random.randint(k[1], (B,), 0, N, dtype=jnp.int32)
    # learned parameters (submodules are linear+tanh readouts)
    W_core = jax.random.normal(k[2], (D, D), dtype=jnp.float32) * 0.05
    b_core = jnp.zeros((D,), jnp.float32)
    W_graph = jax.random.normal(k[3], (D, DG), dtype=jnp.float32) * 0.05
    W_edge = jax.random.normal(k[4], (2 * D, DE), dtype=jnp.float32) * 0.05
    W_label = jax.random.normal(k[5], (DE + DG, L), dtype=jnp.float32) * 0.05
    return {"x": x, "node_offsets": node_offsets, "targets": targets,
            "W_core": W_core, "b_core": b_core, "W_graph": W_graph,
            "W_edge": W_edge, "W_label": W_label}


def _segment_ids(node_offsets):
    sizes = node_offsets[1:] - node_offsets[:-1]
    return jnp.repeat(jnp.arange(B, dtype=jnp.int32), sizes, total_repeat_length=N)


def reference(x, node_offsets, targets, W_core, b_core, W_graph, W_edge, W_label):
    # model_core: per-node embedding + graph-level pooled embedding
    node_emb = jnp.tanh(x @ W_core + b_core)
    seg = _segment_ids(node_offsets)
    graph_pool = jax.ops.segment_sum(node_emb, seg, num_segments=B)
    graph_emb = jnp.tanh(graph_pool @ W_graph)
    # current node = last node of each graph; partner = sampled target
    cur = jnp.take(node_emb, node_offsets[1:] - 1, axis=0)
    partner = jnp.take(node_emb, targets, axis=0)
    # edge_post_embedding
    edge_post = jnp.tanh(jnp.concatenate([cur, partner], axis=-1) @ W_edge)
    # edge_label readout conditioned on graph embedding
    edge_label_logits = jnp.concatenate([edge_post, graph_emb], axis=-1) @ W_label
    probs = jax.nn.softmax(edge_label_logits, axis=1)
    # torch.multinomial(softmax(logits), 1) via Gumbel-max with a fixed key
    u = jax.random.uniform(jax.random.key(42), edge_label_logits.shape)
    gumbel = -jnp.log(-jnp.log(u + 1e-20) + 1e-20)
    edge_labels = jnp.argmax(jnp.log(probs + 1e-20) + gumbel, axis=1)
    return edge_labels, edge_label_logits

if __name__ == "__main__":
    import jax
    _d = setup_inputs()
    print(jax.jit(kernel)(*tuple(_d.values())))

</pallas_src>

<mosaic_0001>
#map = affine_map<(d0, d1) -> (0, 0)>
#map1 = affine_map<(d0, d1) -> (0)>
module attributes {stable_mosaic.version = 14 : i64} {
  func.func @sc_gather(%arg0: i32, %arg1: i32, %arg2: memref<100000x128xf32, #tpu.memory_space<hbm>>, %arg3: memref<2048xi32, #tpu.memory_space<hbm>>, %arg4: memref<2048x128xf32, #tpu.memory_space<hbm>>, %arg5: memref<64xi32, #tpu.memory_space<vmem>>, %arg6: memref<64x128xf32, #tpu.memory_space<vmem>>, %arg7: memref<!tpu.dma_semaphore, #tpu.memory_space<semaphore_mem>>) attributes {dimension_semantics = [#tpu.dimension_semantics<core_parallel>, #tpu.dimension_semantics<subcore_parallel>], iteration_bounds = array<i64: 2, 16>, scalar_prefetch = 0 : i64, scratch_operands = 3 : i64, tpu.core_type = #tpu.core_type<sc_vector_subcore>, window_params = [{transform_indices = #map}, {transform_indices = #map1}, {transform_indices = #map}]} {
    %mul3A = arith.constant 2 : i32
    %mul3A_0 = arith.muli %arg1, %mul3A : i32
    %add3A = arith.addi %mul3A_0, %arg0 : i32
    %mul3A_1 = arith.constant 64 : i32
    %mul3A_2 = arith.muli %add3A, %mul3A_1 : i32
    "tpu.region"() ({
      %run_scoped3A = tpu.sem_alloc : memref<!tpu.dma_semaphore, #tpu.memory_space<semaphore_mem>>
      %dma_start3A_7 = tpu.memref_slice %arg3[%mul3A_2] : memref<2048xi32, #tpu.memory_space<hbm>> -> memref<64xi32, #tpu.memory_space<hbm>>
      %dma_start3A_8 = tpu.memref_slice %arg3[%mul3A_2] : memref<2048xi32, #tpu.memory_space<hbm>> -> memref<64xi32, #tpu.memory_space<hbm>>
      tpu.enqueue_dma source(%dma_start3A_8 : memref<64xi32, #tpu.memory_space<hbm>>) target(%arg5 : memref<64xi32, #tpu.memory_space<vmem>>) target_semaphore(%run_scoped3A : memref<!tpu.dma_semaphore, #tpu.memory_space<semaphore_mem>>)
      %dma_wait3A_9 = tpu.memref_slice %arg3[%mul3A_2] : memref<2048xi32, #tpu.memory_space<hbm>> -> memref<64xi32, #tpu.memory_space<hbm>>
      %dma_wait3A_10 = tpu.memref_slice %arg3[%mul3A_2] : memref<2048xi32, #tpu.memory_space<hbm>> -> memref<64xi32, #tpu.memory_space<hbm>>
      tpu.wait_dma2 semaphore(%run_scoped3A : memref<!tpu.dma_semaphore, #tpu.memory_space<semaphore_mem>>) src(%dma_wait3A_10 : memref<64xi32, #tpu.memory_space<hbm>>) dst(%arg5 : memref<64xi32, #tpu.memory_space<vmem>>)
      tpu.yield
    }) : () -> ()
    %dma_start3A = arith.constant 0 : i32
    %dma_start3A_3 = arith.constant 0 : i32
    %dma_start3A_4 = tpu.memref_slice %arg2[%dma_start3A, %dma_start3A_3] : memref<100000x128xf32, #tpu.memory_space<hbm>> -> memref<100000x128xf32, #tpu.memory_space<hbm>>
    tpu.enqueue_indirect_dma source(%dma_start3A_4 : memref<100000x128xf32, #tpu.memory_space<hbm>>) target(%arg6 : memref<64x128xf32, #tpu.memory_space<vmem>>) offsets(%arg5 : memref<64xi32, #tpu.memory_space<vmem>>) semaphore(%arg7 : memref<!tpu.dma_semaphore, #tpu.memory_space<semaphore_mem>>)
    %dma_wait3A = arith.constant 0 : i32
    %dma_wait3A_5 = arith.constant 0 : i32
    %dma_wait3A_6 = tpu.memref_slice %arg2[%dma_wait3A, %dma_wait3A_5] : memref<100000x128xf32, #tpu.memory_space<hbm>> -> memref<100000x128xf32, #tpu.memory_space<hbm>>
    tpu.wait_indirect_dma semaphore(%arg7 : memref<!tpu.dma_semaphore, #tpu.memory_space<semaphore_mem>>) src(%dma_wait3A_6 : memref<100000x128xf32, #tpu.memory_space<hbm>>) dst(%arg6 : memref<64x128xf32, #tpu.memory_space<vmem>>)
    "tpu.region"() ({
      %run_scoped3A = tpu.sem_alloc : memref<!tpu.dma_semaphore, #tpu.memory_space<semaphore_mem>>
      %dma_start3A_7 = arith.constant 0 : i32
      %dma_start3A_8 = tpu.memref_slice %arg4[%mul3A_2, %dma_start3A_7] : memref<2048x128xf32, #tpu.memory_space<hbm>> -> memref<64x128xf32, #tpu.memory_space<hbm>>
      %dma_start3A_9 = arith.constant 0 : i32
      %dma_start3A_10 = tpu.memref_slice %arg4[%mul3A_2, %dma_start3A_9] : memref<2048x128xf32, #tpu.memory_space<hbm>> -> memref<64x128xf32, #tpu.memory_space<hbm>>
      tpu.enqueue_dma source(%arg6 : memref<64x128xf32, #tpu.memory_space<vmem>>) target(%dma_start3A_10 : memref<64x128xf32, #tpu.memory_space<hbm>>) target_semaphore(%run_scoped3A : memref<!tpu.dma_semaphore, #tpu.memory_space<semaphore_mem>>)
      %dma_wait3A_11 = arith.constant 0 : i32
      %dma_wait3A_12 = tpu.memref_slice %arg4[%mul3A_2, %dma_wait3A_11] : memref<2048x128xf32, #tpu.memory_space<hbm>> -> memref<64x128xf32, #tpu.memory_space<hbm>>
      %dma_wait3A_13 = arith.constant 0 : i32
      %dma_wait3A_14 = tpu.memref_slice %arg4[%mul3A_2, %dma_wait3A_13] : memref<2048x128xf32, #tpu.memory_space<hbm>> -> memref<64x128xf32, #tpu.memory_space<hbm>>
      tpu.wait_dma2 semaphore(%run_scoped3A : memref<!tpu.dma_semaphore, #tpu.memory_space<semaphore_mem>>) src(%arg6 : memref<64x128xf32, #tpu.memory_space<vmem>>) dst(%dma_wait3A_14 : memref<64x128xf32, #tpu.memory_space<hbm>>)
      tpu.yield
    }) : () -> ()
    return
  }
}

module attributes {stable_mosaic.version = 14 : i64} {
  func.func @_head_body(%arg0: memref<1024x128xf32, #tpu.memory_space<vmem>>, %arg1: memref<2048x128xf32, #tpu.memory_space<vmem>>, %arg2: memref<128x128xf32, #tpu.memory_space<vmem>>, %arg3: memref<1x128xf32, #tpu.memory_space<vmem>>, %arg4: memref<128x128xf32, #tpu.memory_space<vmem>>, %arg5: memref<256x128xf32, #tpu.memory_space<vmem>>, %arg6: memref<256x16xf32, #tpu.memory_space<vmem>>, %arg7: memref<1024x16xf32, #tpu.memory_space<vmem>>, %arg8: memref<1024x16xf32, #tpu.memory_space<vmem>>, %arg9: memref<1024x1xi32, #tpu.memory_space<vmem>>) attributes {dimension_semantics = [], scalar_prefetch = 0 : i64, scratch_operands = 0 : i64, tpu.core_type = #tpu.core_type<tc>} {
    %get3A = arith.constant 0 : index
    %get3A_0 = arith.constant 0 : index
    %get3A_1 = vector.load %arg0[%get3A, %get3A_0] : memref<1024x128xf32, #tpu.memory_space<vmem>>, vector<1024x128xf32>
    %get3A_2 = arith.constant 0 : index
    %get3A_3 = arith.constant 0 : index
    %get3A_4 = vector.load %arg4[%get3A_2, %get3A_3] : memref<128x128xf32, #tpu.memory_space<vmem>>, vector<128x128xf32>
    %dot_general3A = arith.constant dense<0.000000e+00> : vector<1024x128xf32>
    %dot_general3A_5 = tpu.matmul %get3A_1, %get3A_4, %dot_general3A {dimension_numbers = #tpu.dot_dimension_numbers<[1], [0], [0], [1], [0, 0, 1, 1], [], []>, transpose_lhs_hint = false} : vector<1024x128xf32>, vector<128x128xf32>, vector<1024x128xf32> -> vector<1024x128xf32>
    %tanh3A = math.tanh %dot_general3A_5 : vector<1024x128xf32>
    %get3A_6 = arith.constant 0 : index
    %get3A_7 = arith.constant 0 : index
    %get3A_8 = vector.load %arg1[%get3A_6, %get3A_7] : memref<2048x128xf32, #tpu.memory_space<vmem>>, vector<1024x128xf32>
    %get3A_9 = arith.constant 0 : index
    %get3A_10 = arith.constant 0 : index
    %get3A_11 = vector.load %arg2[%get3A_9, %get3A_10] : memref<128x128xf32, #tpu.memory_space<vmem>>, vector<128x128xf32>
    %dot_general3A_12 = arith.constant dense<0.000000e+00> : vector<1024x128xf32>
    %dot_general3A_13 = tpu.matmul %get3A_8, %get3A_11, %dot_general3A_12 {dimension_numbers = #tpu.dot_dimension_numbers<[1], [0], [0], [1], [0, 0, 1, 1], [], []>, transpose_lhs_hint = false} : vector<1024x128xf32>, vector<128x128xf32>, vector<1024x128xf32> -> vector<1024x128xf32>
    %get3A_14 = arith.constant 0 : index
    %get3A_15 = arith.constant 0 : index
    %get3A_16 = vector.load %arg3[%get3A_14, %get3A_15] : memref<1x128xf32, #tpu.memory_space<vmem>>, vector<1x128xf32>
    %add3A = vector.broadcast %get3A_16 : vector<1x128xf32> to vector<1024x128xf32>
    %add3A_17 = arith.addf %dot_general3A_13, %add3A : vector<1024x128xf32>
    %tanh3A_18 = math.tanh %add3A_17 : vector<1024x128xf32>
    %get3A_19 = arith.constant 1024 : index
    %get3A_20 = arith.constant 0 : index
    %get3A_21 = vector.load %arg1[%get3A_19, %get3A_20] : memref<2048x128xf32, #tpu.memory_space<vmem>>, vector<1024x128xf32>
    %get3A_22 = arith.constant 0 : index
    %get3A_23 = arith.constant 0 : index
    %get3A_24 = vector.load %arg2[%get3A_22, %get3A_23] : memref<128x128xf32, #tpu.memory_space<vmem>>, vector<128x128xf32>
    %dot_general3A_25 = arith.constant dense<0.000000e+00> : vector<1024x128xf32>
    %dot_general3A_26 = tpu.matmul %get3A_21, %get3A_24, %dot_general3A_25 {dimension_numbers = #tpu.dot_dimension_numbers<[1], [0], [0], [1], [0, 0, 1, 1], [], []>, transpose_lhs_hint = false} : vector<1024x128xf32>, vector<128x128xf32>, vector<1024x128xf32> -> vector<1024x128xf32>
    %get3A_27 = arith.constant 0 : index
    %get3A_28 = arith.constant 0 : index
    %get3A_29 = vector.load %arg3[%get3A_27, %get3A_28] : memref<1x128xf32, #tpu.memory_space<vmem>>, vector<1x128xf32>
    %add3A_30 = vector.broadcast %get3A_29 : vector<1x128xf32> to vector<1024x128xf32>
    %add3A_31 = arith.addf %dot_general3A_26, %add3A_30 : vector<1024x128xf32>
    %tanh3A_32 = math.tanh %add3A_31 : vector<1024x128xf32>
    %get3A_33 = arith.constant 0 : index
    %get3A_34 = arith.constant 0 : index
    %get3A_35 = vector.load %arg5[%get3A_33, %get3A_34] : memref<256x128xf32, #tpu.memory_space<vmem>>, vector<128x128xf32>
    %dot_general3A_36 = arith.constant dense<0.000000e+00> : vector<1024x128xf32>
    %dot_general3A_37 = tpu.matmul %tanh3A_18, %get3A_35, %dot_general3A_36 {dimension_numbers = #tpu.dot_dimension_numbers<[1], [0], [0], [1], [0, 0, 1, 1], [], []>, transpose_lhs_hint = false} : vector<1024x128xf32>, vector<128x128xf32>, vector<1024x128xf32> -> vector<1024x128xf32>
    %get3A_38 = arith.constant 128 : index
    %get3A_39 = arith.constant 0 : index
    %get3A_40 = vector.load %arg5[%get3A_38, %get3A_39] : memref<256x128xf32, #tpu.memory_space<vmem>>, vector<128x128xf32>
    %dot_general3A_41 = arith.constant dense<0.000000e+00> : vector<1024x128xf32>
    %dot_general3A_42 = tpu.matmul %tanh3A_32, %get3A_40, %dot_general3A_41 {dimension_numbers = #tpu.dot_dimension_numbers<[1], [0], [0], [1], [0, 0, 1, 1], [], []>, transpose_lhs_hint = false} : vector<1024x128xf32>, vector<128x128xf32>, vector<1024x128xf32> -> vector<1024x128xf32>
    %add3A_43 = arith.addf %dot_general3A_37, %dot_general3A_42 : vector<1024x128xf32>
    %tanh3A_44 = math.tanh %add3A_43 : vector<1024x128xf32>
    %get3A_45 = arith.constant 0 : index
    %get3A_46 = arith.constant 0 : index
    %get3A_47 = vector.load %arg6[%get3A_45, %get3A_46] : memref<256x16xf32, #tpu.memory_space<vmem>>, vector<128x16xf32>
    %dot_general3A_48 = arith.constant dense<0.000000e+00> : vector<1024x16xf32>
    %dot_general3A_49 = tpu.matmul %tanh3A_44, %get3A_47, %dot_general3A_48 {dimension_numbers = #tpu.dot_dimension_numbers<[1], [0], [0], [1], [0, 0, 1, 1], [], []>, transpose_lhs_hint = false} : vector<1024x128xf32>, vector<128x16xf32>, vector<1024x16xf32> -> vector<1024x16xf32>
    %get3A_50 = arith.constant 128 : index
    %get3A_51 = arith.constant 0 : index
    %get3A_52 = vector.load %arg6[%get3A_50, %get3A_51] : memref<256x16xf32, #tpu.memory_space<vmem>>, vector<128x16xf32>
    %dot_general3A_53 = arith.constant dense<0.000000e+00> : vector<1024x16xf32>
    %dot_general3A_54 = tpu.matmul %tanh3A, %get3A_52, %dot_general3A_53 {dimension_numbers = #tpu.dot_dimension_numbers<[1], [0], [0], [1], [0, 0, 1, 1], [], []>, transpose_lhs_hint = false} : vector<1024x128xf32>, vector<128x16xf32>, vector<1024x16xf32> -> vector<1024x16xf32>
    %add3A_55 = arith.addf %dot_general3A_49, %dot_general3A_54 : vector<1024x16xf32>
    %swap3A = arith.constant 0 : index
    %swap3A_56 = arith.constant 0 : index
    %swap3A_57 = vector.load %arg8[%swap3A, %swap3A_56] : memref<1024x16xf32, #tpu.memory_space<vmem>>, vector<1024x16xf32>
    tpu.vector_store %arg8[%swap3A, %swap3A_56], %add3A_55 {strides = array<i32>} : memref<1024x16xf32, #tpu.memory_space<vmem>>, vector<1024x16xf32>,
    %reduce_max3A = arith.constant dense<0xFF800000> : vector<1024xf32>
    %reduce_max3A_58 = vector.multi_reduction <maximumf>, %add3A_55, %reduce_max3A [1] : vector<1024x16xf32> to vector<1024xf32>
    %broadcast_in_dim3A = vector.shape_cast %reduce_max3A_58 : vector<1024xf32> to vector<1024x1xf32>
    %sub3A = vector.broadcast %broadcast_in_dim3A : vector<1024x1xf32> to vector<1024x16xf32>
    %sub3A_59 = arith.subf %add3A_55, %sub3A : vector<1024x16xf32>
    %exp3A = math.exp %sub3A_59 : vector<1024x16xf32>
    %reduce_sum3A = arith.constant dense<0.000000e+00> : vector<1024xf32>
    %reduce_sum3A_60 = vector.multi_reduction <add>, %exp3A, %reduce_sum3A [1] : vector<1024x16xf32> to vector<1024xf32>
    %broadcast_in_dim3A_61 = vector.shape_cast %reduce_sum3A_60 : vector<1024xf32> to vector<1024x1xf32>
    %div3A = vector.broadcast %broadcast_in_dim3A_61 : vector<1024x1xf32> to vector<1024x16xf32>
    %div3A_62 = arith.divf %exp3A, %div3A : vector<1024x16xf32>
    %add3A_63 = arith.constant 9.99999968E-21 : f32
    %add3A_64 = vector.broadcast %add3A_63 : f32 to vector<1024x16xf32>
    %add3A_65 = arith.addf %div3A_62, %add3A_64 : vector<1024x16xf32>
    %log3A = math.log %add3A_65 : vector<1024x16xf32>
    %get3A_66 = arith.constant 0 : index
    %get3A_67 = arith.constant 0 : index
    %get3A_68 = vector.load %arg7[%get3A_66, %get3A_67] : memref<1024x16xf32, #tpu.memory_space<vmem>>, vector<1024x16xf32>
    %add3A_69 = arith.addf %log3A, %get3A_68 : vector<1024x16xf32>
    %reduce_max3A_70 = arith.constant dense<0xFF800000> : vector<1024xf32>
    %reduce_max3A_71 = vector.multi_reduction <maximumf>, %add3A_69, %reduce_max3A_70 [1] : vector<1024x16xf32> to vector<1024xf32>
    %broadcast_in_dim3A_72 = vector.shape_cast %reduce_max3A_71 : vector<1024xf32> to vector<1024x1xf32>
    %iota3A = tpu.iota {dimensions = array<i32: 1>} : vector<1024x16xi32>
    %eq3A = vector.broadcast %broadcast_in_dim3A_72 : vector<1024x1xf32> to vector<1024x16xf32>
    %eq3A_73 = arith.cmpf oeq, %add3A_69, %eq3A : vector<1024x16xf32>
    %jit3A = arith.constant 16 : i32
    %broadcast_in_dim3A_74 = vector.broadcast %jit3A : i32 to vector<1024x16xi32>
    %select_n3A = arith.select %eq3A_73, %iota3A, %broadcast_in_dim3A_74 : vector<1024x16xi1>, vector<1024x16xi32>
    %reduce_min3A = arith.constant dense<2147483647> : vector<1024xi32>
    %reduce_min3A_75 = vector.multi_reduction <minsi>, %select_n3A, %reduce_min3A [1] : vector<1024x16xi32> to vector<1024xi32>
    %broadcast_in_dim3A_76 = vector.shape_cast %reduce_min3A_75 : vector<1024xi32> to vector<1024x1xi32>
    %swap3A_77 = arith.constant 0 : index
    %swap3A_78 = arith.constant 0 : index
    %swap3A_79 = vector.load %arg9[%swap3A_77, %swap3A_78] : memref<1024x1xi32, #tpu.memory_space<vmem>>, vector<1024x1xi32>
    tpu.vector_store %arg9[%swap3A_77, %swap3A_78], %broadcast_in_dim3A_76 {strides = array<i32>} : memref<1024x1xi32, #tpu.memory_space<vmem>>, vector<1024x1xi32>,
    return
  }
}

module attributes {stable_mosaic.version = 14 : i64} {
  func.func @_pool_body(%arg0: i32, %arg1: memref<50xi32, #tpu.memory_space<smem>>, %arg2: memref<2000x128xf32, #tpu.memory_space<vmem>>, %arg3: memref<2000x128xf32, #tpu.memory_space<vmem>>, %arg4: memref<1x32x1xi32, #tpu.memory_space<vmem>>, %arg5: memref<1x32x1xi32, #tpu.memory_space<vmem>>, %arg6: memref<1x32x1xi32, #tpu.memory_space<vmem>>, %arg7: memref<1x32x1xi32, #tpu.memory_space<vmem>>, %arg8: memref<128x128xf32, #tpu.memory_space<vmem>>, %arg9: memref<1x128xf32, #tpu.memory_space<vmem>>, %arg10: memref<1024x128xf32, #tpu.memory_space<vmem>>) attributes {dimension_semantics = [#tpu.dimension_semantics<arbitrary>], iteration_bounds = array<i64: 25>, scalar_prefetch = 1 : i64, scratch_operands = 0 : i64, tpu.core_type = #tpu.core_type<tc>, window_params = [{transform_indices = @transform_0, window_bounds = array<i64: 2000, 128>}, {transform_indices = @transform_1, window_bounds = array<i64: 2000, 128>}, {transform_indices = @transform_2, window_bounds = array<i64: 1, 32, 1>}, {transform_indices = @transform_3, window_bounds = array<i64: 1, 32, 1>}, {transform_indices = @transform_4, window_bounds = array<i64: 1, 32, 1>}, {transform_indices = @transform_5, window_bounds = array<i64: 1, 32, 1>}, {pipeline_mode = #tpu.pipeline_mode<synchronous>, transform_indices = @transform_6, window_bounds = array<i64: 128, 128>}, {pipeline_mode = #tpu.pipeline_mode<synchronous>, transform_indices = @transform_7, window_bounds = array<i64: 1, 128>}, {pipeline_mode = #tpu.pipeline_mode<synchronous>, transform_indices = @transform_8, window_bounds = array<i64: 1024, 128>}]} {
    %eq3A = arith.constant 0 : i32
    %eq3A_0 = arith.cmpi eq, %arg0, %eq3A : i32
    %convert_element_type3A = arith.extui %eq3A_0 : i1 to i32
    %cond3A = arith.constant 0 : i32
    %cond3A_1 = arith.cmpi ne, %convert_element_type3A, %cond3A : i32
    scf.if %cond3A_1 {
      %broadcast_in_dim3A = arith.constant 0.000000e+00 : f32
      %broadcast_in_dim3A_112 = vector.broadcast %broadcast_in_dim3A : f32 to vector<1024x128xf32>
      %swap3A_113 = arith.constant 0 : index
      %swap3A_114 = arith.constant 0 : index
      %swap3A_115 = vector.load %arg10[%swap3A_113, %swap3A_114] : memref<1024x128xf32, #tpu.memory_space<vmem>>, vector<1024x128xf32>
      tpu.vector_store %arg10[%swap3A_113, %swap3A_114], %broadcast_in_dim3A_112 {strides = array<i32>} : memref<1024x128xf32, #tpu.memory_space<vmem>>, vector<1024x128xf32>,
    } else {
    }
    %get3A = arith.constant 0 : index
    %get3A_2 = arith.constant 0 : index
    %get3A_3 = vector.load %arg8[%get3A, %get3A_2] : memref<128x128xf32, #tpu.memory_space<vmem>>, vector<128x128xf32>
    %get3A_4 = arith.constant 0 : index
    %get3A_5 = arith.constant 0 : index
    %get3A_6 = vector.load %arg9[%get3A_4, %get3A_5] : memref<1x128xf32, #tpu.memory_space<vmem>>, vector<1x128xf32>
    %get3A_7 = arith.constant 0 : index
    %get3A_8 = arith.constant 0 : index
    %get3A_9 = vector.load %arg2[%get3A_7, %get3A_8] : memref<2000x128xf32, #tpu.memory_space<vmem>>, vector<2000x128xf32>
    %dot_general3A = arith.constant dense<0.000000e+00> : vector<2000x128xf32>
    %dot_general3A_10 = tpu.matmul %get3A_9, %get3A_3, %dot_general3A {dimension_numbers = #tpu.dot_dimension_numbers<[1], [0], [0], [1], [0, 0, 1, 1], [], []>, transpose_lhs_hint = false} : vector<2000x128xf32>, vector<128x128xf32>, vector<2000x128xf32> -> vector<2000x128xf32>
    %add3A = vector.broadcast %get3A_6 : vector<1x128xf32> to vector<2000x128xf32>
    %add3A_11 = arith.addf %dot_general3A_10, %add3A : vector<2000x128xf32>
    %tanh3A = math.tanh %add3A_11 : vector<2000x128xf32>
    %get3A_12 = arith.constant 0 : index
    %get3A_13 = arith.constant 0 : index
    %get3A_14 = vector.load %arg3[%get3A_12, %get3A_13] : memref<2000x128xf32, #tpu.memory_space<vmem>>, vector<2000x128xf32>
    %dot_general3A_15 = arith.constant dense<0.000000e+00> : vector<2000x128xf32>
    %dot_general3A_16 = tpu.matmul %get3A_14, %get3A_3, %dot_general3A_15 {dimension_numbers = #tpu.dot_dimension_numbers<[1], [0], [0], [1], [0, 0, 1, 1], [], []>, transpose_lhs_hint = false} : vector<2000x128xf32>, vector<128x128xf32>, vector<2000x128xf32> -> vector<2000x128xf32>
    %add3A_17 = vector.broadcast %get3A_6 : vector<1x128xf32> to vector<2000x128xf32>
    %add3A_18 = arith.addf %dot_general3A_16, %add3A_17 : vector<2000x128xf32>
    %tanh3A_19 = math.tanh %add3A_18 : vector<2000x128xf32>
    %mul3A = arith.constant 2000 : i32
    %mul3A_20 = arith.muli %arg0, %mul3A : i32
    %get3A_21 = arith.constant 0 : index
    %get3A_22 = arith.constant 0 : index
    %get3A_23 = arith.constant 0 : index
    %get3A_24 = vector.load %arg4[%get3A_21, %get3A_22, %get3A_23] : memref<1x32x1xi32, #tpu.memory_space<vmem>>, vector<1x32x1xi32>
    %get3A_25 = vector.shape_cast %get3A_24 : vector<1x32x1xi32> to vector<32x1xi32>
    %get3A_26 = arith.constant 0 : index
    %get3A_27 = arith.constant 0 : index
    %get3A_28 = arith.constant 0 : index
    %get3A_29 = vector.load %arg5[%get3A_26, %get3A_27, %get3A_28] : memref<1x32x1xi32, #tpu.memory_space<vmem>>, vector<1x32x1xi32>
    %get3A_30 = vector.shape_cast %get3A_29 : vector<1x32x1xi32> to vector<32x1xi32>
    %iota3A = tpu.iota {dimensions = array<i32: 1>} : vector<32x2000xi32>
    %add3A_31 = vector.broadcast %mul3A_20 : i32 to vector<32x2000xi32>
    %add3A_32 = arith.addi %add3A_31, %iota3A : vector<32x2000xi32>
    %ge3A = vector.broadcast %get3A_25 : vector<32x1xi32> to vector<32x2000xi32>
    %ge3A_33 = arith.cmpi sge, %add3A_32, %ge3A : vector<32x2000xi32>
    %lt3A = vector.broadcast %get3A_30 : vector<32x1xi32> to vector<32x2000xi32>
    %lt3A_34 = arith.cmpi slt, %add3A_32, %lt3A : vector<32x2000xi32>
    %and3A = arith.andi %ge3A_33, %lt3A_34 : vector<32x2000xi1>
    %convert_element_type3A_35 = arith.extui %and3A : vector<32x2000xi1> to vector<32x2000xi32>
    %convert_element_type3A_36 = arith.sitofp %convert_element_type3A_35 : vector<32x2000xi32> to vector<32x2000xf32>
    %convert_element_type3A_37 = arith.truncf %convert_element_type3A_36 : vector<32x2000xf32> to vector<32x2000xbf16>
    %convert_element_type3A_38 = arith.truncf %tanh3A : vector<2000x128xf32> to vector<2000x128xbf16>
    %convert_element_type3A_39 = arith.extf %convert_element_type3A_38 : vector<2000x128xbf16> to vector<2000x128xf32>
    %sub3A = arith.subf %tanh3A, %convert_element_type3A_39 : vector<2000x128xf32>
    %convert_element_type3A_40 = arith.truncf %sub3A : vector<2000x128xf32> to vector<2000x128xbf16>
    %convert_element_type3A_41 = arith.extf %convert_element_type3A_40 : vector<2000x128xbf16> to vector<2000x128xf32>
    %sub3A_42 = arith.subf %sub3A, %convert_element_type3A_41 : vector<2000x128xf32>
    %convert_element_type3A_43 = arith.truncf %sub3A_42 : vector<2000x128xf32> to vector<2000x128xbf16>
    %dot_general3A_44 = arith.constant dense<0.000000e+00> : vector<32x128xf32>
    %dot_general3A_45 = tpu.matmul %convert_element_type3A_37, %convert_element_type3A_38, %dot_general3A_44 {dimension_numbers = #tpu.dot_dimension_numbers<[1], [0], [0], [1], [0, 0, 1, 1], [], []>, transpose_lhs_hint = false} : vector<32x2000xbf16>, vector<2000x128xbf16>, vector<32x128xf32> -> vector<32x128xf32>
    %dot_general3A_46 = arith.constant dense<0.000000e+00> : vector<32x128xf32>
    %dot_general3A_47 = tpu.matmul %convert_element_type3A_37, %convert_element_type3A_40, %dot_general3A_46 {dimension_numbers = #tpu.dot_dimension_numbers<[1], [0], [0], [1], [0, 0, 1, 1], [], []>, transpose_lhs_hint = false} : vector<32x2000xbf16>, vector<2000x128xbf16>, vector<32x128xf32> -> vector<32x128xf32>
    %add3A_48 = arith.addf %dot_general3A_45, %dot_general3A_47 : vector<32x128xf32>
    %dot_general3A_49 = arith.constant dense<0.000000e+00> : vector<32x128xf32>
    %dot_general3A_50 = tpu.matmul %convert_element_type3A_37, %convert_element_type3A_43, %dot_general3A_49 {dimension_numbers = #tpu.dot_dimension_numbers<[1], [0], [0], [1], [0, 0, 1, 1], [], []>, transpose_lhs_hint = false} : vector<32x2000xbf16>, vector<2000x128xbf16>, vector<32x128xf32> -> vector<32x128xf32>
    %add3A_51 = arith.addf %add3A_48, %dot_general3A_50 : vector<32x128xf32>
    %add3A_52 = arith.constant 25 : i32
    %add3A_53 = arith.addi %arg0, %add3A_52 : i32
    %mul3A_54 = arith.constant 2000 : i32
    %mul3A_55 = arith.muli %add3A_53, %mul3A_54 : i32
    %get3A_56 = arith.constant 0 : index
    %get3A_57 = arith.constant 0 : index
    %get3A_58 = arith.constant 0 : index
    %get3A_59 = vector.load %arg6[%get3A_56, %get3A_57, %get3A_58] : memref<1x32x1xi32, #tpu.memory_space<vmem>>, vector<1x32x1xi32>
    %get3A_60 = vector.shape_cast %get3A_59 : vector<1x32x1xi32> to vector<32x1xi32>
    %get3A_61 = arith.constant 0 : index
    %get3A_62 = arith.constant 0 : index
    %get3A_63 = arith.constant 0 : index
    %get3A_64 = vector.load %arg7[%get3A_61, %get3A_62, %get3A_63] : memref<1x32x1xi32, #tpu.memory_space<vmem>>, vector<1x32x1xi32>
    %get3A_65 = vector.shape_cast %get3A_64 : vector<1x32x1xi32> to vector<32x1xi32>
    %iota3A_66 = tpu.iota {dimensions = array<i32: 1>} : vector<32x2000xi32>
    %add3A_67 = vector.broadcast %mul3A_55 : i32 to vector<32x2000xi32>
    %add3A_68 = arith.addi %add3A_67, %iota3A_66 : vector<32x2000xi32>
    %ge3A_69 = vector.broadcast %get3A_60 : vector<32x1xi32> to vector<32x2000xi32>
    %ge3A_70 = arith.cmpi sge, %add3A_68, %ge3A_69 : vector<32x2000xi32>
    %lt3A_71 = vector.broadcast %get3A_65 : vector<32x1xi32> to vector<32x2000xi32>
    %lt3A_72 = arith.cmpi slt, %add3A_68, %lt3A_71 : vector<32x2000xi32>
    %and3A_73 = arith.andi %ge3A_70, %lt3A_72 : vector<32x2000xi1>
    %convert_element_type3A_74 = arith.extui %and3A_73 : vector<32x2000xi1> to vector<32x2000xi32>
    %convert_element_type3A_75 = arith.sitofp %convert_element_type3A_74 : vector<32x2000xi32> to vector<32x2000xf32>
    %convert_element_type3A_76 = arith.truncf %convert_element_type3A_75 : vector<32x2000xf32> to vector<32x2000xbf16>
    %convert_element_type3A_77 = arith.truncf %tanh3A_19 : vector<2000x128xf32> to vector<2000x128xbf16>
    %convert_element_type3A_78 = arith.extf %convert_element_type3A_77 : vector<2000x128xbf16> to vector<2000x128xf32>
    %sub3A_79 = arith.subf %tanh3A_19, %convert_element_type3A_78 : vector<2000x128xf32>
    %convert_element_type3A_80 = arith.truncf %sub3A_79 : vector<2000x128xf32> to vector<2000x128xbf16>
    %convert_element_type3A_81 = arith.extf %convert_element_type3A_80 : vector<2000x128xbf16> to vector<2000x128xf32>
    %sub3A_82 = arith.subf %sub3A_79, %convert_element_type3A_81 : vector<2000x128xf32>
    %convert_element_type3A_83 = arith.truncf %sub3A_82 : vector<2000x128xf32> to vector<2000x128xbf16>
    %dot_general3A_84 = arith.constant dense<0.000000e+00> : vector<32x128xf32>
    %dot_general3A_85 = tpu.matmul %convert_element_type3A_76, %convert_element_type3A_77, %dot_general3A_84 {dimension_numbers = #tpu.dot_dimension_numbers<[1], [0], [0], [1], [0, 0, 1, 1], [], []>, transpose_lhs_hint = false} : vector<32x2000xbf16>, vector<2000x128xbf16>, vector<32x128xf32> -> vector<32x128xf32>
    %dot_general3A_86 = arith.constant dense<0.000000e+00> : vector<32x128xf32>
    %dot_general3A_87 = tpu.matmul %convert_element_type3A_76, %convert_element_type3A_80, %dot_general3A_86 {dimension_numbers = #tpu.dot_dimension_numbers<[1], [0], [0], [1], [0, 0, 1, 1], [], []>, transpose_lhs_hint = false} : vector<32x2000xbf16>, vector<2000x128xbf16>, vector<32x128xf32> -> vector<32x128xf32>
    %add3A_88 = arith.addf %dot_general3A_85, %dot_general3A_87 : vector<32x128xf32>
    %dot_general3A_89 = arith.constant dense<0.000000e+00> : vector<32x128xf32>
    %dot_general3A_90 = tpu.matmul %convert_element_type3A_76, %convert_element_type3A_83, %dot_general3A_89 {dimension_numbers = #tpu.dot_dimension_numbers<[1], [0], [0], [1], [0, 0, 1, 1], [], []>, transpose_lhs_hint = false} : vector<32x2000xbf16>, vector<2000x128xbf16>, vector<32x128xf32> -> vector<32x128xf32>
    %add3A_91 = arith.addf %add3A_88, %dot_general3A_90 : vector<32x128xf32>
    %get3A_92 = arith.index_cast %arg0 : i32 to index
    %get3A_93 = memref.load %arg1[%get3A_92] : memref<50xi32, #tpu.memory_space<smem>>
    %multiple_of3A = tpu.assume_multiple %get3A_93, 8 : i32
    %get3A_94 = arith.index_cast %multiple_of3A : i32 to index
    %get3A_95 = arith.constant 0 : index
    %get3A_96 = vector.load %arg10[%get3A_94, %get3A_95] : memref<1024x128xf32, #tpu.memory_space<vmem>>, vector<32x128xf32>
    %add3A_97 = arith.addf %get3A_96, %add3A_51 : vector<32x128xf32>
    %swap3A = arith.index_cast %multiple_of3A : i32 to index
    %swap3A_98 = arith.constant 0 : index
    %swap3A_99 = vector.load %arg10[%swap3A, %swap3A_98] : memref<1024x128xf32, #tpu.memory_space<vmem>>, vector<32x128xf32>
    tpu.vector_store %arg10[%swap3A, %swap3A_98], %add3A_97 {strides = array<i32>} : memref<1024x128xf32, #tpu.memory_space<vmem>>, vector<32x128xf32>,
    %add3A_100 = arith.constant 25 : i32
    %add3A_101 = arith.addi %arg0, %add3A_100 : i32
    %get3A_102 = arith.index_cast %add3A_101 : i32 to index
    %get3A_103 = memref.load %arg1[%get3A_102] : memref<50xi32, #tpu.memory_space<smem>>
    %multiple_of3A_104 = tpu.assume_multiple %get3A_103, 8 : i32
    %get3A_105 = arith.index_cast %multiple_of3A_104 : i32 to index
    %get3A_106 = arith.constant 0 : index
    %get3A_107 = vector.load %arg10[%get3A_105, %get3A_106] : memref<1024x128xf32, #tpu.memory_space<vmem>>, vector<32x128xf32>
    %add3A_108 = arith.addf %get3A_107, %add3A_91 : vector<32x128xf32>
    %swap3A_109 = arith.index_cast %multiple_of3A_104 : i32 to index
    %swap3A_110 = arith.constant 0 : index
    %swap3A_111 = vector.load %arg10[%swap3A_109, %swap3A_110] : memref<1024x128xf32, #tpu.memory_space<vmem>>, vector<32x128xf32>
    tpu.vector_store %arg10[%swap3A_109, %swap3A_110], %add3A_108 {strides = array<i32>} : memref<1024x128xf32, #tpu.memory_space<vmem>>, vector<32x128xf32>,
    return
  }
  func.func @transform_0(%arg0: i32, %arg1: memref<50xi32, #tpu.memory_space<smem>>) -> (i32, i32) {
    %c0_i32 = arith.constant 0 : i32
    %c0_i32_0 = arith.constant 0 : i32
    return %arg0, %c0_i32 : i32, i32
  }
  func.func @transform_1(%arg0: i32, %arg1: memref<50xi32, #tpu.memory_space<smem>>) -> (i32, i32) {
    %add3A = arith.constant 25 : i32
    %add3A_0 = arith.addi %arg0, %add3A : i32
    %c0_i32 = arith.constant 0 : i32
    %c0_i32_1 = arith.constant 0 : i32
    return %add3A_0, %c0_i32 : i32, i32
  }
  func.func @transform_2(%arg0: i32, %arg1: memref<50xi32, #tpu.memory_space<smem>>) -> (i32, i32, i32) {
    %c0_i32 = arith.constant 0 : i32
    %c0_i32_0 = arith.constant 0 : i32
    %c0_i32_1 = arith.constant 0 : i32
    return %arg0, %c0_i32, %c0_i32_0 : i32, i32, i32
  }
  func.func @transform_3(%arg0: i32, %arg1: memref<50xi32, #tpu.memory_space<smem>>) -> (i32, i32, i32) {
    %c0_i32 = arith.constant 0 : i32
    %c0_i32_0 = arith.constant 0 : i32
    %c0_i32_1 = arith.constant 0 : i32
    return %arg0, %c0_i32, %c0_i32_0 : i32, i32, i32
  }
  func.func @transform_4(%arg0: i32, %arg1: memref<50xi32, #tpu.memory_space<smem>>) -> (i32, i32, i32) {
    %add3A = arith.constant 25 : i32
    %add3A_0 = arith.addi %arg0, %add3A : i32
    %c0_i32 = arith.constant 0 : i32
    %c0_i32_1 = arith.constant 0 : i32
    %c0_i32_2 = arith.constant 0 : i32
    return %add3A_0, %c0_i32, %c0_i32_1 : i32, i32, i32
  }
  func.func @transform_5(%arg0: i32, %arg1: memref<50xi32, #tpu.memory_space<smem>>) -> (i32, i32, i32) {
    %add3A = arith.constant 25 : i32
    %add3A_0 = arith.addi %arg0, %add3A : i32
    %c0_i32 = arith.constant 0 : i32
    %c0_i32_1 = arith.constant 0 : i32
    %c0_i32_2 = arith.constant 0 : i32
    return %add3A_0, %c0_i32, %c0_i32_1 : i32, i32, i32
  }
  func.func @transform_6(%arg0: i32, %arg1: memref<50xi32, #tpu.memory_space<smem>>) -> (i32, i32) {
    %c0_i32 = arith.constant 0 : i32
    %c0_i32_0 = arith.constant 0 : i32
    %c0_i32_1 = arith.constant 0 : i32
    return %c0_i32, %c0_i32_0 : i32, i32
  }
  func.func @transform_7(%arg0: i32, %arg1: memref<50xi32, #tpu.memory_space<smem>>) -> (i32, i32) {
    %c0_i32 = arith.constant 0 : i32
    %c0_i32_0 = arith.constant 0 : i32
    %c0_i32_1 = arith.constant 0 : i32
    return %c0_i32, %c0_i32_0 : i32, i32
  }
  func.func @transform_8(%arg0: i32, %arg1: memref<50xi32, #tpu.memory_space<smem>>) -> (i32, i32) {
    %c0_i32 = arith.constant 0 : i32
    %c0_i32_0 = arith.constant 0 : i32
    %c0_i32_1 = arith.constant 0 : i32
    return %c0_i32, %c0_i32_0 : i32, i32
  }
}

</mosaic_0001>

<sc_bundles>
// kernel: gather_offload_async_start.1
scs
__scs_entry_jumppad:
0x0: {  	(pc) =	sbr.rel $0x88, $3  }
0x1: {  	(tag) =	ssettag $0x0;
	lr =	simm.s32 $0x1  }
0x2: {  	[smem:$0x3F99] =	sst lr;
	_ =	strace $0xD0000000  }
0x3: {  	_ = 	snop  }
0x4: {  	_ = 	snop  }
0x5: {  	_ = 	snop  }
0x6: {  	_ = 	snop  }
0x7: {  	_ = 	snop  }
__scs_overlays_trampoline_lowered:
0x8: {  	[smem:$0x3FA8] =	sst s0  }
0x9: {  	[smem:$0x3FA9] =	sst s1  }
0xa: {  	[smem:$0x3FAA] =	sst s2  }
0xb: {  	[smem:$0x3FAB] =	sst s3  }
0xc: {  	[smem:$0x3FAC] =	sst s4  }
0xd: {  	[smem:$0x3FAD] =	sst s5  }
0xe: {  	[smem:$0x3FAE] =	sst s6  }
0xf: {  	[smem:$0x3FAF] =	sst s7  }
0x10: {  	[smem:$0x3FB0] =	sst s8  }
0x11: {  	[smem:$0x3FB1] =	sst s9;
	s0 =	simm.s32 @!p0 $0x0  }
0x12: {  	s1 =	sld [smem:$0x3F97];
	s0 =	simm.s32 @p0 $0x1  }
0x13: {  	[smem:$0x3FB2] =	sst s0;
	s0 =	simm.s32 @!p1 $0x0  }
0x14: {  	s2 =	sld [smem:$0x3F96];
	s0 =	simm.s32 @p1 $0x1  }
0x15: {  	[smem:$0x3FB3] =	sst s0;
	s0 =	simm.s32 @!p2 $0x0  }
0x16: {  	s3 =	sld [smem:$0x3FDB];
	s0 =	simm.s32 @p2 $0x1  }
0x17: {  	s4 =	simm.s32 $0x1BF5;
	[smem:$0x3FB5] =	sst s0  }
0x18: {  	s0 =	sld [smem:$0x3F98];
	_ =	swait.ge [sflag:s4], $0x0  }
0x19: {  	s7 =	sld [smem:$0x3F99]  }
0x1a: {  	s8 =	sadd.s32 $0xFFFFE003, lr  }
0x1b: {  	s9 =	sadd.s32 $0xFFFFFEF7, lr;
	s5 =	simm.s32 $0xFFFFFFFF;
	p2 =	slt.u32 s8, $0xFFFFF086  }
0x1c: {  	p1 =	slt.u32 s9, $0xF7A;
	s5 =	simm.s32 @!p2 $0x0  }
0x1d: {  	s5 =	simm.s32 @p1 $0x1;
	p0 =	seq.s32 s7, s2  }
0x1e: {  	s7 =	smul.u32 @!p0 $0xF7A, s2;
	p2 =	seq.s32 @!p0 s5, $0x0  }
0x1f: {  	s9 =	smul.u32 $0xF7A, s1;
	s8 =	simm.s32 @!p0 $0x1BF5;
	p2 =	por !p2, p0  }
0x20: {  	[sflag:s8] =	ssyncset.s32 @!p0 $0xFFFFF086;
	s6 =	sadd.s32 @!p0 s3, s7;
	s7 =	simm.s32 @!p0 $0x108  }
0x21: {  	s3 =	sadd.s32 s3, s9;
	s6 =	sadd.s32 @!p0 $0x88, s6;
	s7 =	simm.s32 @p2 $0x1082  }
0x22: {  	[simem:s7], [sflag:s8] =	dma.local @!p0 [hbm:s6], $0xF7A  }
0x23: {  	s9 =	sor.u32 $0xD0000000, s2;
	s6 =	simm.s32 $0x108;
	_ =	swait.ge @!p0 [sflag:s8], $0x0  }
0x24: {  	s3 =	sadd.s32 $0x88, s3;
	s6 =	simm.s32 @!p1 $0x1082;
	[sflag:s4] =	ssyncset.s32 $0xFFFFF086  }
0x25: {  	[simem:s6], [sflag:s4] =	dma.local [hbm:s3], $0xF7A  }
0x26: {  	[smem:$0x3F99] =	sst s1;
	(tag) =	ssettag s2;
	_ =	strace s9  }
0x27: {  	s1 =	sld [smem:$0x3FA9]  }
0x28: {  	s2 =	sld [smem:$0x3FAA]  }
0x29: {  	s4 =	sld [smem:$0x3FAC]  }
0x2a: {  	p0 =	seq.s32 s5, $0x0;
	s5 =	sld [smem:$0x3FAD]  }
0x2b: {  	s6 =	sld [smem:$0x3FAE]  }
0x2c: {  	s7 =	sld [smem:$0x3FAF]  }
0x2d: {  	s3 =	simm.s32 $0x108;
	s8 =	sld [smem:$0x3FB0]  }
0x2e: {  	s3 =	simm.s32 @!p0 $0x1082;
	s9 =	sld [smem:$0x3FB1]  }
0x2f: {  	lr =	sadd.s32 s0, s3;
	s0 =	sld [smem:$0x3FA8]  }
0x30: {  	s3 =	sld [smem:$0x3FAB]  }
0x31: {  	[smem:$0x3FB4] =	sst s10  }
0x32: {  	s10 =	sld [smem:$0x3FB2];
	_ =	sdelay $0x3  }
0x33: {  	p0 =	seq.s32 s10, $0x1;
	s10 =	sld [smem:$0x3FB4];
	_ =	sdelay $0x3  }
0x34: {  	[smem:$0x3FB4] =	sst s10  }
0x35: {  	s10 =	sld [smem:$0x3FB3];
	_ =	sdelay $0x3  }
0x36: {  	p1 =	seq.s32 s10, $0x1;
	s10 =	sld [smem:$0x3FB4];
	_ =	sdelay $0x3  }
0x37: {  	[smem:$0x3FB4] =	sst s10  }
0x38: {  	s10 =	sld [smem:$0x3FB5]  }
0x39: {  	_ = 	snop;
	(pc) =	sbr.ind lr, $3  }
0x3a: {  	_ = 	snop  }
0x3b: {  	_ = 	snop  }
0x3c: {  	p2 =	seq.s32 s10, $0x1;
	s10 =	sld [smem:$0x3FB4]  }
0x3d: {  	_ =	shalt  }
0x3e: {  	_ =	shalt  }
0x3f: {  	_ =	shalt  }
0x40: {  	_ =	shalt  }
0x41: {  	_ =	shalt  }
0x42: {  	_ =	shalt  }
0x43: {  	_ =	shalt  }
0x44: {  	_ =	shalt  }
0x45: {  	_ =	shalt  }
0x46: {  	_ =	shalt  }
0x47: {  	_ =	shalt  }
0x48: {  	_ =	shalt  }
0x49: {  	_ =	shalt  }
0x4a: {  	_ =	shalt  }
0x4b: {  	_ =	shalt  }
0x4c: {  	_ =	shalt  }
0x4d: {  	_ =	shalt  }
0x4e: {  	_ =	shalt  }
0x4f: {  	_ =	shalt  }
0x50: {  	_ =	shalt  }
0x51: {  	_ =	shalt  }
0x52: {  	_ =	shalt  }
0x53: {  	_ =	shalt  }
0x54: {  	_ =	shalt  }
0x55: {  	_ =	shalt  }
0x56: {  	_ =	shalt  }
0x57: {  	_ =	shalt  }
0x58: {  	_ =	shalt  }
0x59: {  	_ =	shalt  }
0x5a: {  	_ =	shalt  }
0x5b: {  	_ =	shalt  }
0x5c: {  	_ =	shalt  }
0x5d: {  	_ =	shalt  }
0x5e: {  	_ =	shalt  }
0x5f: {  	_ =	shalt  }
0x60: {  	_ =	shalt  }
0x61: {  	_ =	shalt  }
0x62: {  	_ =	shalt  }
0x63: {  	_ =	shalt  }
0x64: {  	_ =	shalt  }
0x65: {  	_ =	shalt  }
0x66: {  	_ =	shalt  }
0x67: {  	_ =	shalt  }
0x68: {  	_ =	shalt  }
0x69: {  	_ =	shalt  }
0x6a: {  	_ =	shalt  }
0x6b: {  	_ =	shalt  }
0x6c: {  	_ =	shalt  }
0x6d: {  	_ =	shalt  }
0x6e: {  	_ =	shalt  }
0x6f: {  	_ =	shalt  }
0x70: {  	_ =	shalt  }
0x71: {  	_ =	shalt  }
0x72: {  	_ =	shalt  }
0x73: {  	_ =	shalt  }
0x74: {  	_ =	shalt  }
0x75: {  	_ =	shalt  }
0x76: {  	_ =	shalt  }
0x77: {  	_ =	shalt  }
0x78: {  	_ =	shalt  }
0x79: {  	_ =	shalt  }
0x7a: {  	_ =	shalt  }
0x7b: {  	_ =	shalt  }
0x7c: {  	_ =	shalt  }
0x7d: {  	_ =	shalt  }
0x7e: {  	_ =	shalt  }
0x7f: {  	_ =	shalt  }
0x80: {  	_ =	shalt  }
0x81: {  	_ =	shalt  }
0x82: {  	_ =	shalt  }
0x83: {  	_ =	shalt  }
0x84: {  	_ =	shalt  }
0x85: {  	_ =	shalt  }
0x86: {  	_ =	shalt  }
0x87: {  	_ =	shalt  }
.Lfunc_end0:
.L_simem_size_0:
called_computation.1_lowered:
.L_overlay_start_0:
0x88: {  	s2 =	sld [smem:$0x3FD9]  }
0x89: {  	s3 =	sld [smem:$0x3FFE];
	_ =	sdelay $0x1  }
0x8a: {  	s1 =	srdreg.scid  }
0x8b: {  	s0 =	sand.u32 $0x1, s1  }
0x8c: {  	s14 =	sshll.u32 s0, $0xA;
	s2 =	sadd.s32 s3, s2  }
0x8d: {  	s2 =	sadd.s32 s2, s14  }
0x8e: {  	[smem:$0x3FC0] =	sst s2  }
0x8f: {  	_ = 	snop  }
0x90: {  	s2 =	sld [smem:$0x3FD0];
	_ =	sdelay $0x2  }
0x91: {  	s15 =	simm.s32 $0xC;
	s4 =	simm.s32 $0x10  }
0x92: {  	[smem:s4], [sflag:s15] =	dma.local [hbm:s2], $0x1  }
0x93: {  	_ =	swait.eq [sflag:s15], $0x1  }
0x94: {  	[sflag:s15] =	ssyncset.done $0x0  }
0x95: {  	[sflag:s15] =	ssyncadd.s32 $0xFFFFFFFF  }
0x96: {  	s16 =	sld [smem:$0x11];
	(tm) =	ssettm $0x1  }
0x97: {  	s17 =	sld [smem:$0x3FFB];
	_ =	sdelay $0x3  }
0x98: {  	_ =	strace s17  }
0x99: {  	s3 =	sld [smem:$0x3FFC];
	_ =	sdelay $0x3  }
0x9a: {  	_ =	strace s3  }
0x9b: {  	s3 =	sld [smem:$0x3FFD];
	_ =	sdelay $0x3  }
0x9c: {  	_ =	strace s3  }
0x9d: {  	_ =	strace $0x8FFFFFFF  }
0x9e: {  	s18 =	sld [smem:$0x3FDB];
	_ =	sdelay $0x1  }
0x9f: {  	s19 =	simm.s32 $_scs_section_size  }
0xa0: {  	s5 =	simm.s32 $_size__tile_overlayer_lowered;
	s6 =	simm.s32 $_tile_overlayer_lowered  }
0xa1: {  	s22 =	simm.s32 $0x1BFF;
	s21 =	sshll.u32 s6, $0x1;
	s3 =	sadd.s32 s19, s18  }
0xa2: {  	s7 =	simm.s32 $0x0;
	s20 =	sshll.u32 s5, $0x1;
	s5 =	sadd.s32 s21, s3  }
0xa3: {  	[timem:s7], [sflag:s22] =	dma.local [hbm:s5], s20  }
0xa4: {  	_ =	swait.ge [sflag:s22], s20  }
0xa5: {  	s4 =	ssub.s32 $0x0, s20;
	[sflag:s22] =	ssyncset.done $0x0  }
0xa6: {  	[sflag:s22] =	ssyncadd.s32 s4;
	_ =	sdelay $0x1  }
0xa7: {  	s23 =	simm.s32 $0x1B8B  }
0xa8: {  	_ =	swait.ge [sflag:s23], $0x1  }
0xa9: {  	[sflag:s23] =	ssyncset.done $0x0  }
0xaa: {  	s25 =	simm.s32 $0x1B8E;
	s24 =	sld [smem:$0x3FFE];
	[sflag:s23] =	ssyncadd.s32 $0xFFFFFFFF  }
0xab: {  	s26 =	simm.s32 $execute0_lowered;
	[smem:$0x3FD2] =	sst s25  }
0xac: {  	s5 =	sshll.u32 s26, $0x1;
	_ =	strace $0x80000046;
	[dreg:$0x1] =	wrdreg $0xFFFFFFFF  }
0xad: {  	s28 =	simm.s32 $_size_execute0_lowered;
	s3 =	sadd.s32 s3, s5;
	[dreg:$0x0] =	wrdreg $0x0  }
0xae: {  	s5 =	sshll.u32 s28, $0x1;
	[dreg:$0x2] =	wrdreg s3  }
0xaf: {  	[dreg:$0x3] =	wrdreg s5  }
0xb0: {  	[dreg:$0x4] =	wrdreg $0xC0  }
0xb1: {  	_ =	task [dreg:s7], $0x5FFFF  }
0xb2: {  	[dreg:$0x1] =	wrdreg $0xFFFFFFFF  }
0xb3: {  	[dreg:$0x0] =	wrdreg $0x60  }
0xb4: {  	[dreg:$0x2] =	wrdreg s16  }
0xb5: {  	[dreg:$0x3] =	wrdreg s24  }
0xb6: {  	[dreg:$0x4] =	wrdreg $0xA  }
0xb7: {  	_ =	task.clear_ibuf [dreg:s7], $0x5FFFF;
	_ =	strace $0x90000046  }
0xb8: {  	s29 =	simm.s32 $0xA;
	_ =	strace $0x80000048  }
0xb9: {  	_ =	swait.ge [sflag:s29], $0x1  }
0xba: {  	[sflag:s29] =	ssyncadd.s32 $0xFFFFFFFF  }
0xbb: {  	_ =	strace $0x90000048  }
0xbc: {  	_ =	sfence  }
0xbd: {  	s30 =	sld [smem:$0x0];
	_ =	sdelay $0x2  }
0xbe: {  	s31 =	sshll.u32 s1, $0xD;
	s1 =	sshrl.u32 s1, $0x2  }
0xbf: {  	s3 =	sand.u32 $0x4000, s31;
	s1 =	sadd.s32 s1, s30  }
0xc0: {  	s0 =	sor.u32 s3, s0;
	s1 =	sshll.u32 s1, $0x11  }
0xc1: {  	s0 =	sor.u32 s1, s0  }
0xc2: {  	s0 =	sadd.s32 $0x8F2B, s0  }
0xc3: {  	[sflag:s0] =	ssyncadd.remote.s32 $0x1  }
0xc4: {  	_ =	sfence.sel $0xFFFF  }
0xc5: {  	[dreg:$0x0] =	wrdreg $0xFFFFFFFF;
	(pc) =	sbr.abs _section_cstart, $3  }
0xc6: {  	[dreg:$0x1] =	wrdreg $0xFFFFFFFF  }
0xc7: {  	_ =	task.clear_ibuf [dreg:s7], $0x2FFFF;
	_ =	strace $0x9FFFFFFF  }
0xc8: {  	(tm) =	ssettm $0x7FFFFFFF  }
0xc9: {  	_ =	shalt  }
tec
execute0_lowered:
.L_overlay_start_1:
0x0: {  	(tag) =	ssettag $0x1  }
0x1: {  	s1 =	srdreg.scid;
	s2 =	rddreg [dreg:$0x0]  }
0x2: {  	s0 =	stileid.u32;
	s6 =	rddreg [dreg:$0x1];
	s1 =	sshll.u32 s1, $0x5  }
0x3: {  	s7 =	simm.s32 $0x1;
	s3 =	sshll.u32 s0, $0x6;
	s1 =	sand.u32 $0x20, s1  }
0x4: {  	s30 =	simm.s32 $0x2;
	s31 =	simm.s32 $0x3;
	s3 =	sor.u32 s3, s1  }
0x5: {  	s11 =	simm.s32 $0x0;
	s9 =	simm.s32 $0x0;
	s5 =	ssub.s32 $0x640, s3  }
0x6: {  	s4 =	sadd.s32 $0x2200, s6;
	s6 =	sadd.s32 $0x2400, s6;
	s8 =	sand.u32 $0x3E0, s5  }
0x7: {  	s1 =	rddreg [dreg:$0x2];
	_ =	strace $0x80000047;
	p0 =	sne.s32 s8, $0x0  }
0x8: {  	[sflag:s7] =	ssyncpa.u1 $0x0;
	s5 =	sshrl.u32 s5, $0xA;
	s7 =	simm.s32 @!p0 $0x0  }
0x9: {  	s10 =	smov.u32 s3;
	[sflag:s30] =	ssyncpa.u1 $0x0;
	s5 =	sadd.s32 s7, s5  }
0xa: {  	[sflag:s31] =	ssyncpa.u1 $0x0;
	s8 =	simm.s32 $0x0;
	s7 =	sadd.s32 $0x1, s5  }
.LBB2_1:
0xb: {  	p0 =	sge.u32 s9, s5  }
0xc: {  	s31 =	sadd.s32 $0xFFFFFFFF, s9;
	s12 =	sxor.u32 @!p0 $0xFFFFFFFF, s8;
	s13 =	sshrl.u32 @!p0 s10, $0x3  }
0xd: {  	s14 =	sand.u32 @!p0 $0x7, s10;
	s12 =	sand.u32 @!p0 $0x20, s12;
	s13 =	sadd.s32 @!p0 s4, s13  }
0xe: {  	[tilespmem:s12], [sflag:$0x2] =	stream.linear.gather @!p0 [hbm4b:s13+s14], $0x20, $0x38;
	[tilespmem:$0x80] =	vst v63  }
0xf: {  	p0 =	sge.u32 s31, s5  }
0x10: {  	s12 =	simm.s32 @!p0 $0x2  }
0x11: {  	_ =	swait.ge @!p0 [sflag:s12], $0x20  }
0x12: {  	[sflag:s12] =	ssyncset.done @!p0 $0x0  }
0x13: {  	[sflag:s12] =	ssyncadd.s32 @!p0 $0xFFFFFFE0;
	s12 =	sand.u32 @!p0 $0x20, s8  }
0x14: {  	(ifvalue) =	ssetifvalue @!p0 $0x7FFFFFFF;
	v0 =	vld.msk @!p0 [tilespmem:s12+$0x0 ss:$0x1], $0xffff;
	_ =	sdelay $0x4  }
0x15: {  	vm0 =	vgt.s32 @!p0 v0, $0x0  }
0x16: {  	v0 =	vnsel @!p0 vm0, $0x0, v0  }
0x17: {  	v0 =	vmin.u32 @!p0 v0, $0x400;
	_ =	sdelay $0x2  }
0x18: {  	s14 =	simm.s32 @!p0 $0x0  }
0x19: {  	s13 =	sor.u32 @!p0 $0x40, s12;
	(ifvalue) =	ssetifvalue @!p0 $0x7FFFFFFF;
	s15 =	sor.u32 @!p0 $0x10, s12;
	vm0 =	vmmov @!p0 $0xffff  }
0x1a: {  	[tilespmem:s13], [sflag:$0x1] =	stream.indirect_vreg.gather @!p0 [hbm4b:s2+s14], $0x1, v0, vm0, $0x4038;
	[tilespmem:$0x80] =	vst v63  }
0x1b: {  	v0 =	vld.msk @!p0 [tilespmem:s15+$0x0 ss:$0x1], $0xffff;
	_ =	sdelay $0x4  }
0x1c: {  	vm1 =	vgt.s32 @!p0 v0, $0x0  }
0x1d: {  	v0 =	vnsel @!p0 vm1, $0x0, v0  }
0x1e: {  	v0 =	vmin.u32 @!p0 v0, $0x400;
	_ =	sdelay $0x3  }
0x1f: {  	s12 =	sor.u32 @!p0 $0x50, s12;
	(ifvalue) =	ssetifvalue @!p0 $0x7FFFFFFF  }
0x20: {  	[tilespmem:s12], [sflag:$0x1] =	stream.indirect_vreg.gather @!p0 [hbm4b:s2+s14], $0x1, v0, vm0, $0x4038;
	[tilespmem:$0x80] =	vst v63  }
0x21: {  	s12 =	simm.s32 @!p0 $0x1  }
0x22: {  	_ =	swait.ge @!p0 [sflag:s12], $0x20  }
0x23: {  	s14 =	sshrl.u32 @!p0 s11, $0x3;
	[sflag:s12] =	ssyncset.done @!p0 $0x0  }
0x24: {  	s11 =	sand.u32 @!p0 $0x7, s11;
	[sflag:s12] =	ssyncadd.s32 @!p0 $0xFFFFFFE0;
	s12 =	sadd.s32 @!p0 s6, s14  }
0x25: {  	[hbm4b:s12+s11] =	stream.linear.scatter @!p0 [tilespmem:s13], [sflag:$0x3], $0x20, $0x38;
	[tilespmem:$0x80] =	vst v63  }
0x26: {  	s13 =	sadd.s32 $0x400, s10  }
0x27: {  	p1 =	sgt.s32 s13, $0x63F  }
0x28: {  	s13 =	smov.u32 @p1 s3;
	p1 =	sne.s32 s9, s7  }
.Ltmp0:
0x29: {  	p0 =	slt.u32 s9, $0x2;
	(pc) =	sbr.rel @p1 .LBB2_1-.Ltmp0, $4  }
0x2a: {  	s12 =	simm.s32 @!p0 $0x3  }
0x2b: {  	_ =	swait.ge @!p0 [sflag:s12], $0x20  }
0x2c: {  	s8 =	sadd.s32 $0x20, s8;
	s11 =	smov.u32 s10;
	[sflag:s12] =	ssyncset.done @!p0 $0x0  }
0x2d: {  	s9 =	sadd.s32 $0x1, s9;
	s10 =	smov.u32 s13;
	[sflag:s12] =	ssyncadd.s32 @!p0 $0xFFFFFFE0  }
0x2e: {  	_ =	sfence.sel $0x180000  }
0x2f: {  	s2 =	simm.s32 $0x2;
	[bflag:$0x0] =	sbarrier.arrive $0xFFFF  }
0x30: {  	s30 =	simm.s32 $0x3;
	[sflag:s2] =	ssyncpa.u1 $0x1  }
0x31: {  	s31 =	simm.s32 $0x1;
	[sflag:s30] =	ssyncpa.u1 $0x1  }
0x32: {  	[sflag:s31] =	ssyncpa.u1 $0x1  }
0x33: {  	p0 =	sne.s32 s0, $0x0;
	_ =	strace $0x90000047  }
0x34: {  	s0 =	sadd.s32 @!p0 $0x100000, s1;
	[bflag:$0x2] =	sbarrier.arrive $0xFFFF  }
0x35: {  	[sflag:s0] =	ssyncadd.tile.s32 @!p0 $0x1;
	_ =	shalt  }
.Lfunc_end2:
_tile_overlayer_lowered:
.L_overlay_start_2:
0x36: {  	(tag) =	ssettag $0x2  }
0x37: {  	s0 =	rddreg [dreg:$0x0];
	s2 =	stileid.u32  }
0x38: {  	s1 =	rddreg [dreg:$0x1];
	p0 =	sne.s32 s2, $0x0  }
0x39: {  	s3 =	rddreg [dreg:$0x2];
	[bflag:$0x3] =	sbarrier.arrive $0xFFFF;
	s2 =	simm.s32 @!p0 $0x1C01  }
0x3a: {  	[timem:s3], [sflag:s2] =	dma.local @!p0 [hbm:s0], s1  }
0x3b: {  	s0 =	simm.s32 @!p0 $0x1  }
0x3c: {  	_ =	swait.ge @!p0 [sflag:s0], s1  }
0x3d: {  	s1 =	ssub.s32 @!p0 $0x0, s1;
	[sflag:s0] =	ssyncset.done @!p0 $0x0  }
0x3e: {  	[sflag:s0] =	ssyncadd.s32 @!p0 s1  }
0x3f: {  	[bflag:$0x3] =	sbarrier.arrive $0xFFFF  }
0x40: {  	_ =	shalt  }

// kernel: gather_offload_async_start
scs
__scs_entry_jumppad:
0x0: {  	(pc) =	sbr.rel $0x88, $3  }
0x1: {  	(tag) =	ssettag $0x0;
	lr =	simm.s32 $0x1  }
0x2: {  	[smem:$0x3F99] =	sst lr;
	_ =	strace $0xD0000000  }
0x3: {  	_ = 	snop  }
0x4: {  	_ = 	snop  }
0x5: {  	_ = 	snop  }
0x6: {  	_ = 	snop  }
0x7: {  	_ = 	snop  }
__scs_overlays_trampoline_lowered:
0x8: {  	[smem:$0x3FA8] =	sst s0  }
0x9: {  	[smem:$0x3FA9] =	sst s1  }
0xa: {  	[smem:$0x3FAA] =	sst s2  }
0xb: {  	[smem:$0x3FAB] =	sst s3  }
0xc: {  	[smem:$0x3FAC] =	sst s4  }
0xd: {  	[smem:$0x3FAD] =	sst s5  }
0xe: {  	[smem:$0x3FAE] =	sst s6  }
0xf: {  	[smem:$0x3FAF] =	sst s7  }
0x10: {  	[smem:$0x3FB0] =	sst s8  }
0x11: {  	[smem:$0x3FB1] =	sst s9;
	s0 =	simm.s32 @!p0 $0x0  }
0x12: {  	s1 =	sld [smem:$0x3F97];
	s0 =	simm.s32 @p0 $0x1  }
0x13: {  	[smem:$0x3FB2] =	sst s0;
	s0 =	simm.s32 @!p1 $0x0  }
0x14: {  	s2 =	sld [smem:$0x3F96];
	s0 =	simm.s32 @p1 $0x1  }
0x15: {  	[smem:$0x3FB3] =	sst s0;
	s0 =	simm.s32 @!p2 $0x0  }
0x16: {  	s3 =	sld [smem:$0x3FDB];
	s0 =	simm.s32 @p2 $0x1  }
0x17: {  	s4 =	simm.s32 $0x1BF5;
	[smem:$0x3FB5] =	sst s0  }
0x18: {  	s0 =	sld [smem:$0x3F98];
	_ =	swait.ge [sflag:s4], $0x0  }
0x19: {  	s7 =	sld [smem:$0x3F99]  }
0x1a: {  	s8 =	sadd.s32 $0xFFFFE003, lr  }
0x1b: {  	s9 =	sadd.s32 $0xFFFFFEF7, lr;
	s5 =	simm.s32 $0xFFFFFFFF;
	p2 =	slt.u32 s8, $0xFFFFF086  }
0x1c: {  	p1 =	slt.u32 s9, $0xF7A;
	s5 =	simm.s32 @!p2 $0x0  }
0x1d: {  	s5 =	simm.s32 @p1 $0x1;
	p0 =	seq.s32 s7, s2  }
0x1e: {  	s7 =	smul.u32 @!p0 $0xF7A, s2;
	p2 =	seq.s32 @!p0 s5, $0x0  }
0x1f: {  	s9 =	smul.u32 $0xF7A, s1;
	s8 =	simm.s32 @!p0 $0x1BF5;
	p2 =	por !p2, p0  }
0x20: {  	[sflag:s8] =	ssyncset.s32 @!p0 $0xFFFFF086;
	s6 =	sadd.s32 @!p0 s3, s7;
	s7 =	simm.s32 @!p0 $0x108  }
0x21: {  	s3 =	sadd.s32 s3, s9;
	s6 =	sadd.s32 @!p0 $0x88, s6;
	s7 =	simm.s32 @p2 $0x1082  }
0x22: {  	[simem:s7], [sflag:s8] =	dma.local @!p0 [hbm:s6], $0xF7A  }
0x23: {  	s9 =	sor.u32 $0xD0000000, s2;
	s6 =	simm.s32 $0x108;
	_ =	swait.ge @!p0 [sflag:s8], $0x0  }
0x24: {  	s3 =	sadd.s32 $0x88, s3;
	s6 =	simm.s32 @!p1 $0x1082;
	[sflag:s4] =	ssyncset.s32 $0xFFFFF086  }
0x25: {  	[simem:s6], [sflag:s4] =	dma.local [hbm:s3], $0xF7A  }
0x26: {  	[smem:$0x3F99] =	sst s1;
	(tag) =	ssettag s2;
	_ =	strace s9  }
0x27: {  	s1 =	sld [smem:$0x3FA9]  }
0x28: {  	s2 =	sld [smem:$0x3FAA]  }
0x29: {  	s4 =	sld [smem:$0x3FAC]  }
0x2a: {  	p0 =	seq.s32 s5, $0x0;
	s5 =	sld [smem:$0x3FAD]  }
0x2b: {  	s6 =	sld [smem:$0x3FAE]  }
0x2c: {  	s7 =	sld [smem:$0x3FAF]  }
0x2d: {  	s3 =	simm.s32 $0x108;
	s8 =	sld [smem:$0x3FB0]  }
0x2e: {  	s3 =	simm.s32 @!p0 $0x1082;
	s9 =	sld [smem:$0x3FB1]  }
0x2f: {  	lr =	sadd.s32 s0, s3;
	s0 =	sld [smem:$0x3FA8]  }
0x30: {  	s3 =	sld [smem:$0x3FAB]  }
0x31: {  	[smem:$0x3FB4] =	sst s10  }
0x32: {  	s10 =	sld [smem:$0x3FB2];
	_ =	sdelay $0x3  }
0x33: {  	p0 =	seq.s32 s10, $0x1;
	s10 =	sld [smem:$0x3FB4];
	_ =	sdelay $0x3  }
0x34: {  	[smem:$0x3FB4] =	sst s10  }
0x35: {  	s10 =	sld [smem:$0x3FB3];
	_ =	sdelay $0x3  }
0x36: {  	p1 =	seq.s32 s10, $0x1;
	s10 =	sld [smem:$0x3FB4];
	_ =	sdelay $0x3  }
0x37: {  	[smem:$0x3FB4] =	sst s10  }
0x38: {  	s10 =	sld [smem:$0x3FB5]  }
0x39: {  	_ = 	snop;
	(pc) =	sbr.ind lr, $3  }
0x3a: {  	_ = 	snop  }
0x3b: {  	_ = 	snop  }
0x3c: {  	p2 =	seq.s32 s10, $0x1;
	s10 =	sld [smem:$0x3FB4]  }
0x3d: {  	_ =	shalt  }
0x3e: {  	_ =	shalt  }
0x3f: {  	_ =	shalt  }
0x40: {  	_ =	shalt  }
0x41: {  	_ =	shalt  }
0x42: {  	_ =	shalt  }
0x43: {  	_ =	shalt  }
0x44: {  	_ =	shalt  }
0x45: {  	_ =	shalt  }
0x46: {  	_ =	shalt  }
0x47: {  	_ =	shalt  }
0x48: {  	_ =	shalt  }
0x49: {  	_ =	shalt  }
0x4a: {  	_ =	shalt  }
0x4b: {  	_ =	shalt  }
0x4c: {  	_ =	shalt  }
0x4d: {  	_ =	shalt  }
0x4e: {  	_ =	shalt  }
0x4f: {  	_ =	shalt  }
0x50: {  	_ =	shalt  }
0x51: {  	_ =	shalt  }
0x52: {  	_ =	shalt  }
0x53: {  	_ =	shalt  }
0x54: {  	_ =	shalt  }
0x55: {  	_ =	shalt  }
0x56: {  	_ =	shalt  }
0x57: {  	_ =	shalt  }
0x58: {  	_ =	shalt  }
0x59: {  	_ =	shalt  }
0x5a: {  	_ =	shalt  }
0x5b: {  	_ =	shalt  }
0x5c: {  	_ =	shalt  }
0x5d: {  	_ =	shalt  }
0x5e: {  	_ =	shalt  }
0x5f: {  	_ =	shalt  }
0x60: {  	_ =	shalt  }
0x61: {  	_ =	shalt  }
0x62: {  	_ =	shalt  }
0x63: {  	_ =	shalt  }
0x64: {  	_ =	shalt  }
0x65: {  	_ =	shalt  }
0x66: {  	_ =	shalt  }
0x67: {  	_ =	shalt  }
0x68: {  	_ =	shalt  }
0x69: {  	_ =	shalt  }
0x6a: {  	_ =	shalt  }
0x6b: {  	_ =	shalt  }
0x6c: {  	_ =	shalt  }
0x6d: {  	_ =	shalt  }
0x6e: {  	_ =	shalt  }
0x6f: {  	_ =	shalt  }
0x70: {  	_ =	shalt  }
0x71: {  	_ =	shalt  }
0x72: {  	_ =	shalt  }
0x73: {  	_ =	shalt  }
0x74: {  	_ =	shalt  }
0x75: {  	_ =	shalt  }
0x76: {  	_ =	shalt  }
0x77: {  	_ =	shalt  }
0x78: {  	_ =	shalt  }
0x79: {  	_ =	shalt  }
0x7a: {  	_ =	shalt  }
0x7b: {  	_ =	shalt  }
0x7c: {  	_ =	shalt  }
0x7d: {  	_ =	shalt  }
0x7e: {  	_ =	shalt  }
0x7f: {  	_ =	shalt  }
0x80: {  	_ =	shalt  }
0x81: {  	_ =	shalt  }
0x82: {  	_ =	shalt  }
0x83: {  	_ =	shalt  }
0x84: {  	_ =	shalt  }
0x85: {  	_ =	shalt  }
0x86: {  	_ =	shalt  }
0x87: {  	_ =	shalt  }
.Lfunc_end0:
.L_simem_size_0:
called_computation_lowered:
.L_overlay_start_0:
0x88: {  	s2 =	sld [smem:$0x3FD9]  }
0x89: {  	s3 =	sld [smem:$0x3FFE];
	_ =	sdelay $0x1  }
0x8a: {  	s1 =	srdreg.scid  }
0x8b: {  	s0 =	sand.u32 $0x1, s1  }
0x8c: {  	s15 =	sshll.u32 s0, $0xA;
	s2 =	sadd.s32 s3, s2  }
0x8d: {  	s2 =	sadd.s32 s2, s15  }
0x8e: {  	[smem:$0x3FC0] =	sst s2  }
0x8f: {  	_ = 	snop  }
0x90: {  	s2 =	sld [smem:$0x3FD0];
	_ =	sdelay $0x2  }
0x91: {  	s16 =	simm.s32 $0xC;
	s4 =	simm.s32 $0x10  }
0x92: {  	[smem:s4], [sflag:s16] =	dma.local [hbm:s2], $0x1  }
0x93: {  	_ =	swait.eq [sflag:s16], $0x1  }
0x94: {  	[sflag:s16] =	ssyncset.done $0x0  }
0x95: {  	[sflag:s16] =	ssyncadd.s32 $0xFFFFFFFF  }
0x96: {  	s17 =	sld [smem:$0x11];
	(tm) =	ssettm $0x1  }
0x97: {  	s18 =	sld [smem:$0x3FFB];
	_ =	sdelay $0x3  }
0x98: {  	_ =	strace s18  }
0x99: {  	s2 =	sld [smem:$0x3FFC];
	_ =	sdelay $0x3  }
0x9a: {  	_ =	strace s2  }
0x9b: {  	s2 =	sld [smem:$0x3FFD];
	_ =	sdelay $0x3  }
0x9c: {  	_ =	strace s2  }
0x9d: {  	_ =	strace $0x8FFFFFFF  }
0x9e: {  	s19 =	sld [smem:$0x3FDB];
	_ =	sdelay $0x1  }
0x9f: {  	s20 =	simm.s32 $_scs_section_size  }
0xa0: {  	s5 =	simm.s32 $_size__tile_overlayer_lowered;
	s6 =	simm.s32 $_tile_overlayer_lowered  }
0xa1: {  	s7 =	simm.s32 $0x1BFF;
	s21 =	sshll.u32 s6, $0x1;
	s4 =	sadd.s32 s20, s19  }
0xa2: {  	s22 =	simm.s32 $0x0;
	s5 =	sshll.u32 s5, $0x1;
	s6 =	sadd.s32 s21, s4  }
0xa3: {  	[timem:s22], [sflag:s7] =	dma.local [hbm:s6], s5  }
0xa4: {  	_ =	swait.ge [sflag:s7], s5  }
0xa5: {  	s5 =	ssub.s32 $0x0, s5;
	[sflag:s7] =	ssyncset.done $0x0  }
0xa6: {  	[sflag:s7] =	ssyncadd.s32 s5;
	_ =	sdelay $0x1  }
0xa7: {  	s23 =	simm.s32 $0x1B8B  }
0xa8: {  	_ =	swait.ge [sflag:s23], $0x1  }
0xa9: {  	[sflag:s23] =	ssyncset.done $0x0  }
0xaa: {  	[sflag:s23] =	ssyncadd.s32 $0xFFFFFFFF  }
0xab: {  	s5 =	sld [smem:$0x0]  }
0xac: {  	s6 =	sand.u32 $0xFFFFFFFE, s1  }
0xad: {  	p0 =	sne.s32 s1, s6  }
0xae: {  	s6 =	sshll.u32 @p0 s6, $0xE  }
0xaf: {  	s6 =	sadd.s32 @p0 $0x11B8D, s6;
	s7 =	sshll.u32 @p0 s5, $0x11  }
0xb0: {  	s6 =	sor.u32 @p0 s7, s6  }
0xb1: {  	[sflag:s6] =	ssyncadd.remote.s32 @p0 $0x1;
	_ =	sdelay $0x1  }
0xb2: {  	s6 =	simm.s32 @p0 $0x1B8D  }
0xb3: {  	_ =	swait.eq @p0 [sflag:s6], $0x1  }
0xb4: {  	[sflag:s6] =	ssyncadd.s32 @p0 $0xFFFFFFFF  }
0xb5: {  	s7 =	sshll.u32 @!p0 s1, $0xE  }
0xb6: {  	s7 =	sor.u32 @!p0 $0x4000, s7;
	s6 =	simm.s32 @!p0 $0x1B8D  }
0xb7: {  	s5 =	sshll.u32 @!p0 s5, $0x11;
	s7 =	sadd.s32 @!p0 $0x11B8D, s7;
	_ =	swait.eq @!p0 [sflag:s6], $0x1  }
0xb8: {  	s5 =	sor.u32 @!p0 s5, s7;
	[sflag:s6] =	ssyncadd.s32 @!p0 $0xFFFFFFFF  }
0xb9: {  	s25 =	simm.s32 $0x1B8E;
	s24 =	sld [smem:$0x3FFE];
	[sflag:s5] =	ssyncadd.remote.s32 @!p0 $0x1  }
0xba: {  	s26 =	simm.s32 $execute0_lowered;
	[smem:$0x3FD2] =	sst s25  }
0xbb: {  	s6 =	sshll.u32 s26, $0x1;
	_ =	strace $0x80000049;
	[dreg:$0x1] =	wrdreg $0xFFFFFFFF  }
0xbc: {  	s28 =	simm.s32 $_size_execute0_lowered;
	s4 =	sadd.s32 s4, s6;
	[dreg:$0x0] =	wrdreg $0x0  }
0xbd: {  	s6 =	sshll.u32 s28, $0x1;
	[dreg:$0x2] =	wrdreg s4  }
0xbe: {  	[dreg:$0x3] =	wrdreg s6  }
0xbf: {  	[dreg:$0x4] =	wrdreg $0xC0  }
0xc0: {  	_ =	task [dreg:s22], $0x5FFFF  }
0xc1: {  	[dreg:$0x1] =	wrdreg $0xFFFFFFFF  }
0xc2: {  	[dreg:$0x0] =	wrdreg $0x60  }
0xc3: {  	[dreg:$0x2] =	wrdreg s17  }
0xc4: {  	[dreg:$0x3] =	wrdreg s24  }
0xc5: {  	[dreg:$0x4] =	wrdreg $0x9  }
0xc6: {  	_ =	task.clear_ibuf [dreg:s22], $0x5FFFF;
	_ =	strace $0x90000049  }
0xc7: {  	s29 =	simm.s32 $0x9;
	_ =	strace $0x8000004B  }
0xc8: {  	_ =	swait.ge [sflag:s29], $0x1  }
0xc9: {  	[sflag:s29] =	ssyncadd.s32 $0xFFFFFFFF  }
0xca: {  	_ =	strace $0x9000004B  }
0xcb: {  	_ =	sfence  }
0xcc: {  	s30 =	sld [smem:$0x0];
	_ =	sdelay $0x2  }
0xcd: {  	s31 =	sshll.u32 s1, $0xD;
	s1 =	sshrl.u32 s1, $0x2  }
0xce: {  	s4 =	sand.u32 $0x4000, s31;
	s1 =	sadd.s32 s1, s30  }
0xcf: {  	s0 =	sor.u32 s4, s0;
	s1 =	sshll.u32 s1, $0x11  }
0xd0: {  	s0 =	sor.u32 s1, s0  }
0xd1: {  	s0 =	sadd.s32 $0x8F2B, s0  }
0xd2: {  	[sflag:s0] =	ssyncadd.remote.s32 $0x1  }
0xd3: {  	_ =	sfence.sel $0xFFFF  }
0xd4: {  	[dreg:$0x0] =	wrdreg $0xFFFFFFFF;
	(pc) =	sbr.abs _section_cstart, $3  }
0xd5: {  	[dreg:$0x1] =	wrdreg $0xFFFFFFFF  }
0xd6: {  	_ =	task.clear_ibuf [dreg:s22], $0x2FFFF;
	_ =	strace $0x9FFFFFFF  }
0xd7: {  	(tm) =	ssettm $0x7FFFFFFF  }
tec
execute0_lowered:
.L_overlay_start_1:
0x0: {  	(tag) =	ssettag $0x1  }
0x1: {  	s1 =	srdreg.scid;
	s2 =	rddreg [dreg:$0x0]  }
0x2: {  	s0 =	stileid.u32;
	s6 =	rddreg [dreg:$0x1];
	s1 =	sshll.u32 s1, $0x5  }
0x3: {  	s7 =	simm.s32 $0x1;
	s3 =	sshll.u32 s0, $0x6;
	s1 =	sand.u32 $0x20, s1  }
0x4: {  	s30 =	simm.s32 $0x2;
	s31 =	simm.s32 $0x3;
	s3 =	sor.u32 s3, s1  }
0x5: {  	s11 =	simm.s32 $0x0;
	s9 =	simm.s32 $0x0;
	s5 =	ssub.s32 $0x640, s3  }
0x6: {  	s4 =	sadd.s32 $0x2600, s6;
	s6 =	sadd.s32 $0x2800, s6;
	s8 =	sand.u32 $0x3E0, s5  }
0x7: {  	s1 =	rddreg [dreg:$0x2];
	_ =	strace $0x8000004A;
	p0 =	sne.s32 s8, $0x0  }
0x8: {  	[sflag:s7] =	ssyncpa.u1 $0x0;
	s5 =	sshrl.u32 s5, $0xA;
	s7 =	simm.s32 @!p0 $0x0  }
0x9: {  	s10 =	smov.u32 s3;
	[sflag:s30] =	ssyncpa.u1 $0x0;
	s5 =	sadd.s32 s7, s5  }
0xa: {  	[sflag:s31] =	ssyncpa.u1 $0x0;
	s8 =	simm.s32 $0x0;
	s7 =	sadd.s32 $0x1, s5  }
.LBB2_1:
0xb: {  	p0 =	sge.u32 s9, s5  }
0xc: {  	s31 =	sadd.s32 $0xFFFFFFFF, s9;
	s12 =	sxor.u32 @!p0 $0xFFFFFFFF, s8;
	s13 =	sshrl.u32 @!p0 s10, $0x3  }
0xd: {  	s14 =	sand.u32 @!p0 $0x7, s10;
	s12 =	sand.u32 @!p0 $0x20, s12;
	s13 =	sadd.s32 @!p0 s4, s13  }
0xe: {  	[tilespmem:s12], [sflag:$0x2] =	stream.linear.gather @!p0 [hbm4b:s13+s14], $0x20, $0x38;
	[tilespmem:$0x80] =	vst v63  }
0xf: {  	p0 =	sge.u32 s31, s5  }
0x10: {  	s12 =	simm.s32 @!p0 $0x2  }
0x11: {  	_ =	swait.ge @!p0 [sflag:s12], $0x20  }
0x12: {  	[sflag:s12] =	ssyncset.done @!p0 $0x0  }
0x13: {  	[sflag:s12] =	ssyncadd.s32 @!p0 $0xFFFFFFE0;
	s12 =	sand.u32 @!p0 $0x20, s8  }
0x14: {  	(ifvalue) =	ssetifvalue @!p0 $0x7FFFFFFF;
	v0 =	vld.msk @!p0 [tilespmem:s12+$0x0 ss:$0x1], $0xffff;
	_ =	sdelay $0x4  }
0x15: {  	vm0 =	vgt.s32 @!p0 v0, $0x0  }
0x16: {  	v0 =	vnsel @!p0 vm0, $0x0, v0  }
0x17: {  	v0 =	vmin.u32 @!p0 v0, $0x400;
	_ =	sdelay $0x2  }
0x18: {  	s14 =	simm.s32 @!p0 $0x0  }
0x19: {  	s13 =	sor.u32 @!p0 $0x40, s12;
	(ifvalue) =	ssetifvalue @!p0 $0x7FFFFFFF;
	s15 =	sor.u32 @!p0 $0x10, s12;
	vm0 =	vmmov @!p0 $0xffff  }
0x1a: {  	[tilespmem:s13], [sflag:$0x1] =	stream.indirect_vreg.gather @!p0 [hbm4b:s2+s14], $0x1, v0, vm0, $0x4038;
	[tilespmem:$0x80] =	vst v63  }
0x1b: {  	v0 =	vld.msk @!p0 [tilespmem:s15+$0x0 ss:$0x1], $0xffff;
	_ =	sdelay $0x4  }
0x1c: {  	vm1 =	vgt.s32 @!p0 v0, $0x0  }
0x1d: {  	v0 =	vnsel @!p0 vm1, $0x0, v0  }
0x1e: {  	v0 =	vmin.u32 @!p0 v0, $0x400;
	_ =	sdelay $0x3  }
0x1f: {  	s12 =	sor.u32 @!p0 $0x50, s12;
	(ifvalue) =	ssetifvalue @!p0 $0x7FFFFFFF  }
0x20: {  	[tilespmem:s12], [sflag:$0x1] =	stream.indirect_vreg.gather @!p0 [hbm4b:s2+s14], $0x1, v0, vm0, $0x4038;
	[tilespmem:$0x80] =	vst v63  }
0x21: {  	s12 =	simm.s32 @!p0 $0x1  }
0x22: {  	_ =	swait.ge @!p0 [sflag:s12], $0x20  }
0x23: {  	s14 =	sshrl.u32 @!p0 s11, $0x3;
	[sflag:s12] =	ssyncset.done @!p0 $0x0  }
0x24: {  	s11 =	sand.u32 @!p0 $0x7, s11;
	[sflag:s12] =	ssyncadd.s32 @!p0 $0xFFFFFFE0;
	s12 =	sadd.s32 @!p0 s6, s14  }
0x25: {  	[hbm4b:s12+s11] =	stream.linear.scatter @!p0 [tilespmem:s13], [sflag:$0x3], $0x20, $0x38;
	[tilespmem:$0x80] =	vst v63  }
0x26: {  	s13 =	sadd.s32 $0x400, s10  }
0x27: {  	p1 =	sgt.s32 s13, $0x63F  }
0x28: {  	s13 =	smov.u32 @p1 s3;
	p1 =	sne.s32 s9, s7  }
.Ltmp0:
0x29: {  	p0 =	slt.u32 s9, $0x2;
	(pc) =	sbr.rel @p1 .LBB2_1-.Ltmp0, $4  }
0x2a: {  	s12 =	simm.s32 @!p0 $0x3  }
0x2b: {  	_ =	swait.ge @!p0 [sflag:s12], $0x20  }
0x2c: {  	s8 =	sadd.s32 $0x20, s8;
	s11 =	smov.u32 s10;
	[sflag:s12] =	ssyncset.done @!p0 $0x0  }
0x2d: {  	s9 =	sadd.s32 $0x1, s9;
	s10 =	smov.u32 s13;
	[sflag:s12] =	ssyncadd.s32 @!p0 $0xFFFFFFE0  }
0x2e: {  	_ =	sfence.sel $0x180000  }
0x2f: {  	s2 =	simm.s32 $0x2;
	[bflag:$0x0] =	sbarrier.arrive $0xFFFF  }
0x30: {  	s30 =	simm.s32 $0x3;
	[sflag:s2] =	ssyncpa.u1 $0x1  }
0x31: {  	s31 =	simm.s32 $0x1;
	[sflag:s30] =	ssyncpa.u1 $0x1  }
0x32: {  	[sflag:s31] =	ssyncpa.u1 $0x1  }
0x33: {  	p0 =	sne.s32 s0, $0x0;
	_ =	strace $0x9000004A  }
0x34: {  	s0 =	sadd.s32 @!p0 $0x100000, s1;
	[bflag:$0x2] =	sbarrier.arrive $0xFFFF  }
0x35: {  	[sflag:s0] =	ssyncadd.tile.s32 @!p0 $0x1;
	_ =	shalt  }
.Lfunc_end2:
_tile_overlayer_lowered:
.L_overlay_start_2:
0x36: {  	(tag) =	ssettag $0x2  }
0x37: {  	s0 =	rddreg [dreg:$0x0];
	s2 =	stileid.u32  }
0x38: {  	s1 =	rddreg [dreg:$0x1];
	p0 =	sne.s32 s2, $0x0  }
0x39: {  	s3 =	rddreg [dreg:$0x2];
	[bflag:$0x3] =	sbarrier.arrive $0xFFFF;
	s2 =	simm.s32 @!p0 $0x1C01  }
0x3a: {  	[timem:s3], [sflag:s2] =	dma.local @!p0 [hbm:s0], s1  }
0x3b: {  	s0 =	simm.s32 @!p0 $0x1  }
0x3c: {  	_ =	swait.ge @!p0 [sflag:s0], s1  }
0x3d: {  	s1 =	ssub.s32 @!p0 $0x0, s1;
	[sflag:s0] =	ssyncset.done @!p0 $0x0  }
0x3e: {  	[sflag:s0] =	ssyncadd.s32 @!p0 s1  }
0x3f: {  	[bflag:$0x3] =	sbarrier.arrive $0xFFFF  }
0x40: {  	_ =	shalt  }

// kernel: kernel.5.cloned.1.call-start
scs
__scs_entry_jumppad:
0x0: {  	(pc) =	sbr.rel $0x88, $3  }
0x1: {  	(tag) =	ssettag $0x0;
	lr =	simm.s32 $0x1  }
0x2: {  	[smem:$0x3F99] =	sst lr;
	_ =	strace $0xD0000000  }
0x3: {  	_ = 	snop  }
0x4: {  	_ = 	snop  }
0x5: {  	_ = 	snop  }
0x6: {  	_ = 	snop  }
0x7: {  	_ = 	snop  }
__scs_overlays_trampoline_lowered:
0x8: {  	[smem:$0x3FA8] =	sst s0  }
0x9: {  	[smem:$0x3FA9] =	sst s1  }
0xa: {  	[smem:$0x3FAA] =	sst s2  }
0xb: {  	[smem:$0x3FAB] =	sst s3  }
0xc: {  	[smem:$0x3FAC] =	sst s4  }
0xd: {  	[smem:$0x3FAD] =	sst s5  }
0xe: {  	[smem:$0x3FAE] =	sst s6  }
0xf: {  	[smem:$0x3FAF] =	sst s7  }
0x10: {  	[smem:$0x3FB0] =	sst s8  }
0x11: {  	[smem:$0x3FB1] =	sst s9;
	s0 =	simm.s32 @!p0 $0x0  }
0x12: {  	s1 =	sld [smem:$0x3F97];
	s0 =	simm.s32 @p0 $0x1  }
0x13: {  	[smem:$0x3FB2] =	sst s0;
	s0 =	simm.s32 @!p1 $0x0  }
0x14: {  	s2 =	sld [smem:$0x3F96];
	s0 =	simm.s32 @p1 $0x1  }
0x15: {  	[smem:$0x3FB3] =	sst s0;
	s0 =	simm.s32 @!p2 $0x0  }
0x16: {  	s3 =	sld [smem:$0x3FDB];
	s0 =	simm.s32 @p2 $0x1  }
0x17: {  	s4 =	simm.s32 $0x1BF5;
	[smem:$0x3FB5] =	sst s0  }
0x18: {  	s0 =	sld [smem:$0x3F98];
	_ =	swait.ge [sflag:s4], $0x0  }
0x19: {  	s7 =	sld [smem:$0x3F99]  }
0x1a: {  	s8 =	sadd.s32 $0xFFFFE003, lr  }
0x1b: {  	s9 =	sadd.s32 $0xFFFFFEF7, lr;
	s5 =	simm.s32 $0xFFFFFFFF;
	p2 =	slt.u32 s8, $0xFFFFF086  }
0x1c: {  	p1 =	slt.u32 s9, $0xF7A;
	s5 =	simm.s32 @!p2 $0x0  }
0x1d: {  	s5 =	simm.s32 @p1 $0x1;
	p0 =	seq.s32 s7, s2  }
0x1e: {  	s7 =	smul.u32 @!p0 $0xF7A, s2;
	p2 =	seq.s32 @!p0 s5, $0x0  }
0x1f: {  	s9 =	smul.u32 $0xF7A, s1;
	s8 =	simm.s32 @!p0 $0x1BF5;
	p2 =	por !p2, p0  }
0x20: {  	[sflag:s8] =	ssyncset.s32 @!p0 $0xFFFFF086;
	s6 =	sadd.s32 @!p0 s3, s7;
	s7 =	simm.s32 @!p0 $0x108  }
0x21: {  	s3 =	sadd.s32 s3, s9;
	s6 =	sadd.s32 @!p0 $0x88, s6;
	s7 =	simm.s32 @p2 $0x1082  }
0x22: {  	[simem:s7], [sflag:s8] =	dma.local @!p0 [hbm:s6], $0xF7A  }
0x23: {  	s9 =	sor.u32 $0xD0000000, s2;
	s6 =	simm.s32 $0x108;
	_ =	swait.ge @!p0 [sflag:s8], $0x0  }
0x24: {  	s3 =	sadd.s32 $0x88, s3;
	s6 =	simm.s32 @!p1 $0x1082;
	[sflag:s4] =	ssyncset.s32 $0xFFFFF086  }
0x25: {  	[simem:s6], [sflag:s4] =	dma.local [hbm:s3], $0xF7A  }
0x26: {  	[smem:$0x3F99] =	sst s1;
	(tag) =	ssettag s2;
	_ =	strace s9  }
0x27: {  	s1 =	sld [smem:$0x3FA9]  }
0x28: {  	s2 =	sld [smem:$0x3FAA]  }
0x29: {  	s4 =	sld [smem:$0x3FAC]  }
0x2a: {  	p0 =	seq.s32 s5, $0x0;
	s5 =	sld [smem:$0x3FAD]  }
0x2b: {  	s6 =	sld [smem:$0x3FAE]  }
0x2c: {  	s7 =	sld [smem:$0x3FAF]  }
0x2d: {  	s3 =	simm.s32 $0x108;
	s8 =	sld [smem:$0x3FB0]  }
0x2e: {  	s3 =	simm.s32 @!p0 $0x1082;
	s9 =	sld [smem:$0x3FB1]  }
0x2f: {  	lr =	sadd.s32 s0, s3;
	s0 =	sld [smem:$0x3FA8]  }
0x30: {  	s3 =	sld [smem:$0x3FAB]  }
0x31: {  	[smem:$0x3FB4] =	sst s10  }
0x32: {  	s10 =	sld [smem:$0x3FB2];
	_ =	sdelay $0x3  }
0x33: {  	p0 =	seq.s32 s10, $0x1;
	s10 =	sld [smem:$0x3FB4];
	_ =	sdelay $0x3  }
0x34: {  	[smem:$0x3FB4] =	sst s10  }
0x35: {  	s10 =	sld [smem:$0x3FB3];
	_ =	sdelay $0x3  }
0x36: {  	p1 =	seq.s32 s10, $0x1;
	s10 =	sld [smem:$0x3FB4];
	_ =	sdelay $0x3  }
0x37: {  	[smem:$0x3FB4] =	sst s10  }
0x38: {  	s10 =	sld [smem:$0x3FB5]  }
0x39: {  	_ = 	snop;
	(pc) =	sbr.ind lr, $3  }
0x3a: {  	_ = 	snop  }
0x3b: {  	_ = 	snop  }
0x3c: {  	p2 =	seq.s32 s10, $0x1;
	s10 =	sld [smem:$0x3FB4]  }
0x3d: {  	_ =	shalt  }
0x3e: {  	_ =	shalt  }
0x3f: {  	_ =	shalt  }
0x40: {  	_ =	shalt  }
0x41: {  	_ =	shalt  }
0x42: {  	_ =	shalt  }
0x43: {  	_ =	shalt  }
0x44: {  	_ =	shalt  }
0x45: {  	_ =	shalt  }
0x46: {  	_ =	shalt  }
0x47: {  	_ =	shalt  }
0x48: {  	_ =	shalt  }
0x49: {  	_ =	shalt  }
0x4a: {  	_ =	shalt  }
0x4b: {  	_ =	shalt  }
0x4c: {  	_ =	shalt  }
0x4d: {  	_ =	shalt  }
0x4e: {  	_ =	shalt  }
0x4f: {  	_ =	shalt  }
0x50: {  	_ =	shalt  }
0x51: {  	_ =	shalt  }
0x52: {  	_ =	shalt  }
0x53: {  	_ =	shalt  }
0x54: {  	_ =	shalt  }
0x55: {  	_ =	shalt  }
0x56: {  	_ =	shalt  }
0x57: {  	_ =	shalt  }
0x58: {  	_ =	shalt  }
0x59: {  	_ =	shalt  }
0x5a: {  	_ =	shalt  }
0x5b: {  	_ =	shalt  }
0x5c: {  	_ =	shalt  }
0x5d: {  	_ =	shalt  }
0x5e: {  	_ =	shalt  }
0x5f: {  	_ =	shalt  }
0x60: {  	_ =	shalt  }
0x61: {  	_ =	shalt  }
0x62: {  	_ =	shalt  }
0x63: {  	_ =	shalt  }
0x64: {  	_ =	shalt  }
0x65: {  	_ =	shalt  }
0x66: {  	_ =	shalt  }
0x67: {  	_ =	shalt  }
0x68: {  	_ =	shalt  }
0x69: {  	_ =	shalt  }
0x6a: {  	_ =	shalt  }
0x6b: {  	_ =	shalt  }
0x6c: {  	_ =	shalt  }
0x6d: {  	_ =	shalt  }
0x6e: {  	_ =	shalt  }
0x6f: {  	_ =	shalt  }
0x70: {  	_ =	shalt  }
0x71: {  	_ =	shalt  }
0x72: {  	_ =	shalt  }
0x73: {  	_ =	shalt  }
0x74: {  	_ =	shalt  }
0x75: {  	_ =	shalt  }
0x76: {  	_ =	shalt  }
0x77: {  	_ =	shalt  }
0x78: {  	_ =	shalt  }
0x79: {  	_ =	shalt  }
0x7a: {  	_ =	shalt  }
0x7b: {  	_ =	shalt  }
0x7c: {  	_ =	shalt  }
0x7d: {  	_ =	shalt  }
0x7e: {  	_ =	shalt  }
0x7f: {  	_ =	shalt  }
0x80: {  	_ =	shalt  }
0x81: {  	_ =	shalt  }
0x82: {  	_ =	shalt  }
0x83: {  	_ =	shalt  }
0x84: {  	_ =	shalt  }
0x85: {  	_ =	shalt  }
0x86: {  	_ =	shalt  }
0x87: {  	_ =	shalt  }
.Lfunc_end0:
.L_simem_size_0:
called_computation.2_lowered:
.L_overlay_start_0:
0x88: {  	s2 =	sld [smem:$0x3FD9]  }
0x89: {  	s3 =	sld [smem:$0x3FFE];
	_ =	sdelay $0x1  }
0x8a: {  	s1 =	srdreg.scid  }
0x8b: {  	s0 =	sand.u32 $0x1, s1  }
0x8c: {  	s17 =	sshll.u32 s0, $0xA;
	s2 =	sadd.s32 s3, s2  }
0x8d: {  	s2 =	sadd.s32 s2, s17  }
0x8e: {  	[smem:$0x3FC0] =	sst s2  }
0x8f: {  	_ = 	snop  }
0x90: {  	s18 =	sld [smem:$0x3FC9];
	(tm) =	ssettm $0x1  }
0x91: {  	s19 =	sld [smem:$0x3FFB];
	_ =	sdelay $0x3  }
0x92: {  	_ =	strace s19  }
0x93: {  	s2 =	sld [smem:$0x3FFC];
	_ =	sdelay $0x3  }
0x94: {  	_ =	strace s2  }
0x95: {  	s2 =	sld [smem:$0x3FFD];
	_ =	sdelay $0x3  }
0x96: {  	_ =	strace s2  }
0x97: {  	_ =	strace $0x8FFFFFFF  }
0x98: {  	s20 =	sld [smem:$0x3FDB];
	_ =	sdelay $0x1  }
0x99: {  	s4 =	simm.s32 $_scs_section_size  }
0x9a: {  	s5 =	simm.s32 $_size__tile_overlayer_lowered;
	s6 =	simm.s32 $_tile_overlayer_lowered  }
0x9b: {  	s7 =	simm.s32 $0x1BFF;
	s21 =	sshll.u32 s6, $0x1;
	s4 =	sadd.s32 s4, s20  }
0x9c: {  	s22 =	simm.s32 $0x0;
	s5 =	sshll.u32 s5, $0x1;
	s6 =	sadd.s32 s21, s4  }
0x9d: {  	[timem:s22], [sflag:s7] =	dma.local [hbm:s6], s5  }
0x9e: {  	_ =	swait.ge [sflag:s7], s5  }
0x9f: {  	s5 =	ssub.s32 $0x0, s5;
	[sflag:s7] =	ssyncset.done $0x0  }
0xa0: {  	[sflag:s7] =	ssyncadd.s32 s5;
	_ =	sdelay $0x1  }
0xa1: {  	s23 =	simm.s32 $0x1B8B  }
0xa2: {  	_ =	swait.ge [sflag:s23], $0x1  }
0xa3: {  	[sflag:s23] =	ssyncset.done $0x0  }
0xa4: {  	[sflag:s23] =	ssyncadd.s32 $0xFFFFFFFF  }
0xa5: {  	s5 =	sld [smem:$0x0]  }
0xa6: {  	s6 =	sand.u32 $0xFFFFFFFE, s1  }
0xa7: {  	p0 =	sne.s32 s1, s6  }
0xa8: {  	s6 =	sshll.u32 @p0 s6, $0xE  }
0xa9: {  	s6 =	sadd.s32 @p0 $0x11B8D, s6;
	s7 =	sshll.u32 @p0 s5, $0x11  }
0xaa: {  	s6 =	sor.u32 @p0 s7, s6  }
0xab: {  	[sflag:s6] =	ssyncadd.remote.s32 @p0 $0x1;
	_ =	sdelay $0x1  }
0xac: {  	s6 =	simm.s32 @p0 $0x1B8D  }
0xad: {  	_ =	swait.eq @p0 [sflag:s6], $0x1  }
0xae: {  	[sflag:s6] =	ssyncadd.s32 @p0 $0xFFFFFFFF  }
0xaf: {  	s7 =	sshll.u32 @!p0 s1, $0xE  }
0xb0: {  	s7 =	sor.u32 @!p0 $0x4000, s7;
	s6 =	simm.s32 @!p0 $0x1B8D  }
0xb1: {  	s5 =	sshll.u32 @!p0 s5, $0x11;
	s7 =	sadd.s32 @!p0 $0x11B8D, s7;
	_ =	swait.eq @!p0 [sflag:s6], $0x1  }
0xb2: {  	s5 =	sor.u32 @!p0 s5, s7;
	[sflag:s6] =	ssyncadd.s32 @!p0 $0xFFFFFFFF  }
0xb3: {  	s25 =	simm.s32 $0x1B8E;
	s24 =	sld [smem:$0x3FFE];
	[sflag:s5] =	ssyncadd.remote.s32 @!p0 $0x1  }
0xb4: {  	s26 =	simm.s32 $execute0_lowered;
	[smem:$0x3FD2] =	sst s25  }
0xb5: {  	s6 =	sshll.u32 s26, $0x1;
	_ =	strace $0x8000004C;
	[dreg:$0x1] =	wrdreg $0xFFFFFFFF  }
0xb6: {  	s28 =	simm.s32 $_size_execute0_lowered;
	s4 =	sadd.s32 s4, s6;
	[dreg:$0x0] =	wrdreg $0x0  }
0xb7: {  	s6 =	sshll.u32 s28, $0x1;
	[dreg:$0x2] =	wrdreg s4  }
0xb8: {  	[dreg:$0x3] =	wrdreg s6  }
0xb9: {  	[dreg:$0x4] =	wrdreg $0xC0  }
0xba: {  	_ =	task [dreg:s22], $0x5FFFF  }
0xbb: {  	[dreg:$0x1] =	wrdreg $0xFFFFFFFF  }
0xbc: {  	[dreg:$0x0] =	wrdreg $0x60  }
0xbd: {  	[dreg:$0x2] =	wrdreg s18  }
0xbe: {  	[dreg:$0x3] =	wrdreg s24  }
0xbf: {  	[dreg:$0x4] =	wrdreg $0xB  }
0xc0: {  	_ =	task.clear_ibuf [dreg:s22], $0x5FFFF;
	_ =	strace $0x9000004C  }
0xc1: {  	s29 =	simm.s32 $0xB;
	_ =	strace $0x8000004E  }
0xc2: {  	_ =	swait.ge [sflag:s29], $0x1  }
0xc3: {  	[sflag:s29] =	ssyncadd.s32 $0xFFFFFFFF  }
0xc4: {  	_ =	strace $0x9000004E  }
0xc5: {  	_ =	sfence  }
0xc6: {  	s30 =	sld [smem:$0x0];
	_ =	sdelay $0x2  }
0xc7: {  	s31 =	sshll.u32 s1, $0xD;
	s1 =	sshrl.u32 s1, $0x2  }
0xc8: {  	s4 =	sand.u32 $0x4000, s31;
	s1 =	sadd.s32 s1, s30  }
0xc9: {  	s0 =	sor.u32 s4, s0;
	s1 =	sshll.u32 s1, $0x11  }
0xca: {  	s0 =	sor.u32 s1, s0  }
0xcb: {  	s0 =	sadd.s32 $0x8F2B, s0  }
0xcc: {  	[sflag:s0] =	ssyncadd.remote.s32 $0x1  }
0xcd: {  	_ =	sfence.sel $0xFFFF  }
0xce: {  	[dreg:$0x0] =	wrdreg $0xFFFFFFFF;
	(pc) =	sbr.abs _section_cstart, $3  }
0xcf: {  	[dreg:$0x1] =	wrdreg $0xFFFFFFFF  }
0xd0: {  	_ =	task.clear_ibuf [dreg:s22], $0x2FFFF;
	_ =	strace $0x9FFFFFFF  }
0xd1: {  	(tm) =	ssettm $0x7FFFFFFF  }
tec
execute0_lowered:
.L_overlay_start_1:
0x0: {  	(tag) =	ssettag $0x1  }
0x1: {  	s1 =	srdreg.scid  }
0x2: {  	s0 =	stileid.u32;
	s2 =	rddreg [dreg:$0x0];
	s6 =	sand.u32 $0x1, s1  }
0x3: {  	s9 =	rddreg [dreg:$0x1];
	s30 =	sshll.u32 s0, $0x7;
	s3 =	sshll.u32 s6, $0x6  }
0x4: {  	s7 =	simm.s32 $0x80;
	s8 =	simm.s32 $0x1;
	s10 =	sor.u32 s3, s30  }
0x5: {  	s1 =	rddreg [dreg:$0x2];
	s3 =	simm.s32 $0x0;
	s4 =	sshrl.u32 s10, $0x3  }
0x6: {  	s11 =	ssub.s32 $0x2, s6;
	[smem:$0x7FF] =	sst s3;
	s4 =	sadd.s32 s4, s9  }
0x7: {  	_ =	strace $0x8000004D;
	s5 =	sadd.s32 $0x2000, s4;
	s4 =	simm.s32 $0x2  }
0x8: {  	[tilespmem:s3], [sflag:$0x2] =	stream.linear.gather [hbm4b:s5+s3], $0x40, $0x38;
	[tilespmem:$0x2080] =	vst v63  }
0x9: {  	s6 =	simm.s32 $0x40;
	s12 =	sshrl.u32 s11, $0x1;
	_ =	swait.ge [sflag:s4], $0x40  }
0xa: {  	s10 =	sshll.u32 s10, $0x4;
	s31 =	ssub.s32 s11, s12;
	[sflag:s4] =	ssyncset.done $0x0  }
0xb: {  	s9 =	sadd.s32 s10, s9;
	s10 =	smax.u32 s31, $0x1;
	[sflag:s4] =	ssyncadd.s32 $0xFFFFFFC0  }
0xc: {  	[tilespmem:s7], [sflag:$0x1] =	stream.indirect.gather [hbm4b:s2+s6], $0x80, s3, s6, $0xb8;
	[tilespmem:$0x2080] =	vst v63  }
0xd: {  	p0 =	sne.s32 s10, $0x1;
	_ =	swait.ge [sflag:s8], $0x2000  }
.Ltmp0:
0xe: {  	[sflag:s8] =	ssyncset.done $0x0;
	(pc) =	sbr.rel @!p0 .LBB2_2-.Ltmp0, $4  }
0xf: {  	s9 =	sadd.s32 $0x2A00, s9;
	[sflag:s8] =	ssyncadd.s32 $0xFFFFE000  }
0x10: {  	[hbm4b:s9+s3] =	stream.linear.scatter [tilespmem:s7], [sflag:$0x2], $0x2000, $0x38;
	[tilespmem:$0x2080] =	vst v63  }
0x11: {  	_ =	swait.ge [sflag:s4], $0x2000  }
0x12: {  	s10 =	sadd.s32 $0xFFFFFFFF, s10;
	[sflag:s4] =	ssyncset.done $0x0  }
.LBB2_1:
0x13: {  	p0 =	sne.s32 s10, $0x1;
	s10 =	sadd.s32 $0xFFFFFFFF, s10;
	[sflag:s4] =	ssyncadd.s32 $0xFFFFE000  }
0x14: {  	[tilespmem:s3], [sflag:$0x2] =	stream.linear.gather [hbm4b:s5+s3], $0x40, $0x38;
	[tilespmem:$0x2080] =	vst v63  }
0x15: {  	_ =	swait.ge [sflag:s4], $0x40  }
0x16: {  	[sflag:s4] =	ssyncset.done $0x0  }
0x17: {  	[sflag:s4] =	ssyncadd.s32 $0xFFFFFFC0  }
0x18: {  	[tilespmem:s7], [sflag:$0x1] =	stream.indirect.gather [hbm4b:s2+s6], $0x80, s3, s6, $0xb8;
	[tilespmem:$0x2080] =	vst v63  }
0x19: {  	_ =	swait.ge [sflag:s8], $0x2000  }
.Ltmp1:
0x1a: {  	[sflag:s8] =	ssyncset.done $0x0;
	(pc) =	sbr.rel @p0 .LBB2_1-.Ltmp1, $4  }
0x1b: {  	[sflag:s8] =	ssyncadd.s32 $0xFFFFE000  }
0x1c: {  	[hbm4b:s9+s3] =	stream.linear.scatter [tilespmem:s7], [sflag:$0x2], $0x2000, $0x38;
	[tilespmem:$0x2080] =	vst v63  }
0x1d: {  	_ =	swait.ge [sflag:s4], $0x2000  }
0x1e: {  	[sflag:s4] =	ssyncset.done $0x0  }
.LBB2_2:
0x1f: {  	[sflag:s4] =	ssyncadd.s32 $0xFFFFE000  }
0x20: {  	_ =	sfence.sel $0x180000  }
0x21: {  	[bflag:$0x0] =	sbarrier.arrive $0xFFFF  }
0x22: {  	p0 =	sne.s32 s0, $0x0;
	_ =	strace $0x9000004D  }
0x23: {  	s0 =	sadd.s32 @!p0 $0x100000, s1;
	[bflag:$0x2] =	sbarrier.arrive $0xFFFF  }
0x24: {  	[sflag:s0] =	ssyncadd.tile.s32 @!p0 $0x1;
	_ =	shalt  }
.Lfunc_end2:
_tile_overlayer_lowered:
.L_overlay_start_2:
0x25: {  	(tag) =	ssettag $0x2  }
0x26: {  	s0 =	rddreg [dreg:$0x0];
	s2 =	stileid.u32  }
0x27: {  	s1 =	rddreg [dreg:$0x1];
	p0 =	sne.s32 s2, $0x0  }
0x28: {  	s3 =	rddreg [dreg:$0x2];
	[bflag:$0x3] =	sbarrier.arrive $0xFFFF;
	s2 =	simm.s32 @!p0 $0x1C02  }
0x29: {  	[timem:s3], [sflag:s2] =	dma.local @!p0 [hbm:s0], s1  }
0x2a: {  	s0 =	simm.s32 @!p0 $0x2  }
0x2b: {  	_ =	swait.ge @!p0 [sflag:s0], s1  }
0x2c: {  	s1 =	ssub.s32 @!p0 $0x0, s1;
	[sflag:s0] =	ssyncset.done @!p0 $0x0  }
0x2d: {  	[sflag:s0] =	ssyncadd.s32 @!p0 s1  }
0x2e: {  	[bflag:$0x3] =	sbarrier.arrive $0xFFFF  }
0x2f: {  	_ =	shalt  }

</sc_bundles>
